<compile_context>
chip_gen: v7x
topology: tpu7x:2x2x1
jax: 0.10.2.dev20260603
libtpu: 0.0.44.dev20260713+nightly
codegen_flags: <defaults>
</compile_context>

<pallas_src>
import functools

import jax
import jax.numpy as jnp
from jax import lax
from jax.experimental import pallas as pl
from jax.experimental.pallas import tpu as pltpu
from jax.experimental.pallas import tpu_sc as plsc

_NUM_CLASSES = 1000000
_EMBED_DIM = 64
_BATCH = 16384
_DROPOUT_P = 0.1

_info = plsc.get_sparse_core_info()
_NC, _NS = _info.num_cores, _info.num_subcores
_NW = _NC * _NS
_BPW = _BATCH // _NW
_GRP = 1
_NBUF = 8
_NGRP = _BPW // _GRP
_NIT = _NGRP // _NBUF - 1

_mesh = plsc.VectorSubcoreMesh(core_axis_name="c", subcore_axis_name="s")


@functools.partial(
    pl.kernel,
    mesh=_mesh,
    compiler_params=pltpu.CompilerParams(
        disable_bounds_checks=True, needs_layout_passes=False
    ),
    out_type=jax.ShapeDtypeStruct((_EMBED_DIM, _BATCH), jnp.float32),
    scratch_types=(
        [pltpu.VMEM((_BPW + 16,), jnp.int32)]
        + [pltpu.VMEM((_GRP * _EMBED_DIM, 128), jnp.float32)] * _NBUF
        + [pltpu.VMEM((_EMBED_DIM, _BPW), jnp.float32)]
        + [pltpu.SemaphoreType.DMA] * (_NBUF + 1)
    ),
)
def _embed_gather(table_hbm, idx_hbm, out_hbm, idx_v, *rest):
    bufs = rest[:_NBUF]
    stage_v = rest[_NBUF]
    sem_i = rest[_NBUF + 1]
    sems = rest[_NBUF + 2:]
    wid = lax.axis_index("s") * _NC + lax.axis_index("c")
    base = wid * _BPW
    pltpu.async_copy(idx_hbm.at[pl.ds(base, _BPW)],
                     idx_v.at[pl.ds(0, _BPW)], sem_i).wait()
    idx_v[pl.ds(_BPW, 16)] = jnp.zeros((16,), jnp.int32)

    def fire(first_label, buf, sem):
        vec = idx_v[pl.ds(first_label, 16)]
        for b in range(_GRP):
            col0 = pl.multiple_of((vec[b] >> 7) * 128, 128)
            pltpu.async_copy(
                table_hbm.at[:, pl.ds(col0, 128)],
                buf.at[pl.ds(b * _EMBED_DIM, _EMBED_DIM), :],
                sem,
            )

    def drain(buf, sem):
        for b in range(_GRP):
            pltpu.make_async_copy(
                table_hbm.at[:, pl.ds(0, 128)],
                buf.at[pl.ds(b * _EMBED_DIM, _EMBED_DIM), :],
                sem,
            ).wait()

    def extract(first_label, buf):
        vec = idx_v[pl.ds(first_label, 16)]
        for b in range(_GRP):
            lane = jnp.full((16,), vec[b] & 127, dtype=jnp.int32)
            pos = jnp.full((16,), first_label + b, dtype=jnp.int32)
            for k in range(_EMBED_DIM // 16):
                rows = lax.iota(jnp.int32, 16) + (b * _EMBED_DIM + k * 16)
                val = plsc.load_gather(buf, [rows, lane])
                out_rows = lax.iota(jnp.int32, 16) + k * 16
                plsc.store_scatter(stage_v, [out_rows, pos], val)

    ring = tuple(zip(bufs, sems))
    for off, (buf, sem) in enumerate(ring):
        fire(off * _GRP, buf, sem)

    def body(i, _):
        g0 = i * _NBUF
        for off, (buf, sem) in enumerate(ring):
            la = (g0 + off) * _GRP
            drain(buf, sem)
            extract(la, buf)
            fire(la + _NBUF * _GRP, buf, sem)
        return ()

    lax.fori_loop(0, _NIT, body, ())
    g0 = _NIT * _NBUF
    for off, (buf, sem) in enumerate(ring):
        drain(buf, sem)
        extract((g0 + off) * _GRP, buf)
    pltpu.sync_copy(stage_v, out_hbm.at[:, pl.ds(base, _BPW)])


def kernel(labels, codebook, training):
    drop_ids = jax.random.normal(jax.random.key(42), (labels.shape[0],)) < _DROPOUT_P
    dropped = jnp.where(drop_ids, _NUM_CLASSES, labels)
    eff = jnp.where(jnp.asarray(training) != 0, dropped, labels)
    table_t = lax.optimization_barrier(codebook.T)
    out_t = _embed_gather(table_t, eff)
    return out_t.T

# --- scband reference (transcript-rebuilt; emitter-appended) ---
"""Pipeline reference for scband-label-embedder-5609227288993 (READ-ONLY COPY).

The authoritative reference and input builder live on the scoring server;
editing this copy changes nothing except your own understanding.
"""

import jax, jax.numpy as jnp
import numpy as np

NUM_CLASSES = 1000000
EMBED_DIM = 64
BATCH = 16384
DROPOUT_P = 0.1


def setup_inputs(seed: int = 0) -> dict:
    key = jax.random.key(seed)
    k1, k2 = jax.random.split(key)
    labels = jax.random.randint(k1, (BATCH,), 0, NUM_CLASSES, dtype=jnp.int32)
    # nn.Embedding(num_classes + 1, embed_dim): extra row is the CFG null-class token
    codebook = jax.random.normal(k2, (NUM_CLASSES + 1, EMBED_DIM), dtype=jnp.float32) * 0.02
    return {"labels": labels, "codebook": codebook, "training": 0}


def reference(labels, codebook, training=0):
    # LabelEmbedder.forward: optionally drop labels to the null class (CFG), then embed.
    key = jax.random.key(42)
    drop_ids = jax.random.normal(key, (labels.shape[0],)) < DROPOUT_P
    dropped_labels = jnp.where(drop_ids, NUM_CLASSES, labels)
    labels = jnp.where(jnp.asarray(training) != 0, dropped_labels, labels)
    label_embeds = jnp.take(codebook, labels, axis=0)
    return label_embeds

if __name__ == "__main__":
    import jax
    _d = setup_inputs()
    print(jax.jit(kernel)(*tuple(_d.values())))

</pallas_src>

<mosaic_0001>
#map = affine_map<(d0, d1) -> (0, 0)>
#map1 = affine_map<(d0, d1) -> (0)>
module attributes {stable_mosaic.version = 14 : i64} {
  func.func @_embed_gather(%arg0: i32, %arg1: i32, %arg2: memref<64x1000001xf32, #tpu.memory_space<hbm>>, %arg3: memref<16384xi32, #tpu.memory_space<hbm>>, %arg4: memref<64x16384xf32, #tpu.memory_space<hbm>>, %arg5: memref<528xi32, #tpu.memory_space<vmem>>, %arg6: memref<64x128xf32, #tpu.memory_space<vmem>>, %arg7: memref<64x128xf32, #tpu.memory_space<vmem>>, %arg8: memref<64x128xf32, #tpu.memory_space<vmem>>, %arg9: memref<64x128xf32, #tpu.memory_space<vmem>>, %arg10: memref<64x128xf32, #tpu.memory_space<vmem>>, %arg11: memref<64x128xf32, #tpu.memory_space<vmem>>, %arg12: memref<64x128xf32, #tpu.memory_space<vmem>>, %arg13: memref<64x128xf32, #tpu.memory_space<vmem>>, %arg14: memref<64x512xf32, #tpu.memory_space<vmem>>, %arg15: memref<!tpu.dma_semaphore, #tpu.memory_space<semaphore_mem>>, %arg16: memref<!tpu.dma_semaphore, #tpu.memory_space<semaphore_mem>>, %arg17: memref<!tpu.dma_semaphore, #tpu.memory_space<semaphore_mem>>, %arg18: memref<!tpu.dma_semaphore, #tpu.memory_space<semaphore_mem>>, %arg19: memref<!tpu.dma_semaphore, #tpu.memory_space<semaphore_mem>>, %arg20: memref<!tpu.dma_semaphore, #tpu.memory_space<semaphore_mem>>, %arg21: memref<!tpu.dma_semaphore, #tpu.memory_space<semaphore_mem>>, %arg22: memref<!tpu.dma_semaphore, #tpu.memory_space<semaphore_mem>>, %arg23: memref<!tpu.dma_semaphore, #tpu.memory_space<semaphore_mem>>) attributes {dimension_semantics = [#tpu.dimension_semantics<core_parallel>, #tpu.dimension_semantics<subcore_parallel>], iteration_bounds = array<i64: 2, 16>, scalar_prefetch = 0 : i64, scratch_operands = 19 : i64, tpu.core_type = #tpu.core_type<sc_vector_subcore>, window_params = [{transform_indices = #map}, {transform_indices = #map1}, {transform_indices = #map}]} {
    %mul3A = arith.constant 2 : i32
    %mul3A_0 = arith.muli %arg1, %mul3A : i32
    %add3A = arith.addi %mul3A_0, %arg0 : i32
    %mul3A_1 = arith.constant 512 : i32
    %mul3A_2 = arith.muli %add3A, %mul3A_1 : i32
    %dma_start3A = arith.constant 0 : i32
    %dma_start3A_3 = tpu.memref_slice %arg5[%dma_start3A] : memref<528xi32, #tpu.memory_space<vmem>> -> memref<512xi32, #tpu.memory_space<vmem>>
    %dma_start3A_4 = tpu.memref_slice %arg3[%mul3A_2] : memref<16384xi32, #tpu.memory_space<hbm>> -> memref<512xi32, #tpu.memory_space<hbm>>
    %dma_start3A_5 = arith.constant 0 : i32
    %dma_start3A_6 = tpu.memref_slice %arg5[%dma_start3A_5] : memref<528xi32, #tpu.memory_space<vmem>> -> memref<512xi32, #tpu.memory_space<vmem>>
    %dma_start3A_7 = tpu.memref_slice %arg3[%mul3A_2] : memref<16384xi32, #tpu.memory_space<hbm>> -> memref<512xi32, #tpu.memory_space<hbm>>
    tpu.enqueue_dma source(%dma_start3A_7 : memref<512xi32, #tpu.memory_space<hbm>>) target(%dma_start3A_6 : memref<512xi32, #tpu.memory_space<vmem>>) target_semaphore(%arg15 : memref<!tpu.dma_semaphore, #tpu.memory_space<semaphore_mem>>)
    %dma_wait3A = arith.constant 0 : i32
    %dma_wait3A_8 = tpu.memref_slice %arg5[%dma_wait3A] : memref<528xi32, #tpu.memory_space<vmem>> -> memref<512xi32, #tpu.memory_space<vmem>>
    %dma_wait3A_9 = tpu.memref_slice %arg3[%mul3A_2] : memref<16384xi32, #tpu.memory_space<hbm>> -> memref<512xi32, #tpu.memory_space<hbm>>
    %dma_wait3A_10 = arith.constant 0 : i32
    %dma_wait3A_11 = tpu.memref_slice %arg5[%dma_wait3A_10] : memref<528xi32, #tpu.memory_space<vmem>> -> memref<512xi32, #tpu.memory_space<vmem>>
    %dma_wait3A_12 = tpu.memref_slice %arg3[%mul3A_2] : memref<16384xi32, #tpu.memory_space<hbm>> -> memref<512xi32, #tpu.memory_space<hbm>>
    tpu.wait_dma2 semaphore(%arg15 : memref<!tpu.dma_semaphore, #tpu.memory_space<semaphore_mem>>) src(%dma_wait3A_12 : memref<512xi32, #tpu.memory_space<hbm>>) dst(%dma_wait3A_11 : memref<512xi32, #tpu.memory_space<vmem>>)
    %broadcast_in_dim3A = arith.constant 0 : i32
    %broadcast_in_dim3A_13 = vector.broadcast %broadcast_in_dim3A : i32 to vector<16xi32>
    %swap3A = arith.constant 512 : index
    %swap3A_14 = tpu.vector_load %arg5[%swap3A] {strides = array<i32>} : memref<528xi32, #tpu.memory_space<vmem>>, vector<16xi32>,
    tpu.vector_store %arg5[%swap3A], %broadcast_in_dim3A_13 {strides = array<i32>} : memref<528xi32, #tpu.memory_space<vmem>>, vector<16xi32>,
    %get3A = arith.constant 0 : index
    %get3A_15 = tpu.vector_load %arg5[%get3A] {strides = array<i32>} : memref<528xi32, #tpu.memory_space<vmem>>, vector<16xi32>,
    %slice3A = vector.extract_strided_slice %get3A_15 {offsets = [0], sizes = [1], strides = [1]} : vector<16xi32> to vector<1xi32>
    %squeeze3A = vector.extract %slice3A[0] : i32 from vector<1xi32>
    %shift_right_arithmetic3A = arith.constant 7 : i32
    %shift_right_arithmetic3A_16 = arith.shrsi %squeeze3A, %shift_right_arithmetic3A : i32
    %mul3A_17 = arith.constant 128 : i32
    %mul3A_18 = arith.muli %shift_right_arithmetic3A_16, %mul3A_17 : i32
    %multiple_of3A = tpu.assume_multiple %mul3A_18, 128 : i32
    %dma_start3A_19 = arith.constant 0 : i32
    %dma_start3A_20 = arith.constant 0 : i32
    %dma_start3A_21 = tpu.memref_slice %arg6[%dma_start3A_19, %dma_start3A_20] : memref<64x128xf32, #tpu.memory_space<vmem>> -> memref<64x128xf32, #tpu.memory_space<vmem>>
    %dma_start3A_22 = arith.constant 0 : i32
    %dma_start3A_23 = tpu.memref_slice %arg2[%dma_start3A_22, %multiple_of3A] : memref<64x1000001xf32, #tpu.memory_space<hbm>> -> memref<64x128xf32, #tpu.memory_space<hbm>>
    %dma_start3A_24 = arith.constant 0 : i32
    %dma_start3A_25 = arith.constant 0 : i32
    %dma_start3A_26 = tpu.memref_slice %arg6[%dma_start3A_24, %dma_start3A_25] : memref<64x128xf32, #tpu.memory_space<vmem>> -> memref<64x128xf32, #tpu.memory_space<vmem>>
    %dma_start3A_27 = arith.constant 0 : i32
    %dma_start3A_28 = tpu.memref_slice %arg2[%dma_start3A_27, %multiple_of3A] : memref<64x1000001xf32, #tpu.memory_space<hbm>> -> memref<64x128xf32, #tpu.memory_space<hbm>>
    tpu.enqueue_dma source(%dma_start3A_28 : memref<64x128xf32, #tpu.memory_space<hbm>>) target(%dma_start3A_26 : memref<64x128xf32, #tpu.memory_space<vmem>>) target_semaphore(%arg16 : memref<!tpu.dma_semaphore, #tpu.memory_space<semaphore_mem>>)
    %get3A_29 = arith.constant 1 : index
    %get3A_30 = tpu.vector_load %arg5[%get3A_29] {strides = array<i32>} : memref<528xi32, #tpu.memory_space<vmem>>, vector<16xi32>,
    %slice3A_31 = vector.extract_strided_slice %get3A_30 {offsets = [0], sizes = [1], strides = [1]} : vector<16xi32> to vector<1xi32>
    %squeeze3A_32 = vector.extract %slice3A_31[0] : i32 from vector<1xi32>
    %shift_right_arithmetic3A_33 = arith.constant 7 : i32
    %shift_right_arithmetic3A_34 = arith.shrsi %squeeze3A_32, %shift_right_arithmetic3A_33 : i32
    %mul3A_35 = arith.constant 128 : i32
    %mul3A_36 = arith.muli %shift_right_arithmetic3A_34, %mul3A_35 : i32
    %multiple_of3A_37 = tpu.assume_multiple %mul3A_36, 128 : i32
    %dma_start3A_38 = arith.constant 0 : i32
    %dma_start3A_39 = arith.constant 0 : i32
    %dma_start3A_40 = tpu.memref_slice %arg7[%dma_start3A_38, %dma_start3A_39] : memref<64x128xf32, #tpu.memory_space<vmem>> -> memref<64x128xf32, #tpu.memory_space<vmem>>
    %dma_start3A_41 = arith.constant 0 : i32
    %dma_start3A_42 = tpu.memref_slice %arg2[%dma_start3A_41, %multiple_of3A_37] : memref<64x1000001xf32, #tpu.memory_space<hbm>> -> memref<64x128xf32, #tpu.memory_space<hbm>>
    %dma_start3A_43 = arith.constant 0 : i32
    %dma_start3A_44 = arith.constant 0 : i32
    %dma_start3A_45 = tpu.memref_slice %arg7[%dma_start3A_43, %dma_start3A_44] : memref<64x128xf32, #tpu.memory_space<vmem>> -> memref<64x128xf32, #tpu.memory_space<vmem>>
    %dma_start3A_46 = arith.constant 0 : i32
    %dma_start3A_47 = tpu.memref_slice %arg2[%dma_start3A_46, %multiple_of3A_37] : memref<64x1000001xf32, #tpu.memory_space<hbm>> -> memref<64x128xf32, #tpu.memory_space<hbm>>
    tpu.enqueue_dma source(%dma_start3A_47 : memref<64x128xf32, #tpu.memory_space<hbm>>) target(%dma_start3A_45 : memref<64x128xf32, #tpu.memory_space<vmem>>) target_semaphore(%arg17 : memref<!tpu.dma_semaphore, #tpu.memory_space<semaphore_mem>>)
    %get3A_48 = arith.constant 2 : index
    %get3A_49 = tpu.vector_load %arg5[%get3A_48] {strides = array<i32>} : memref<528xi32, #tpu.memory_space<vmem>>, vector<16xi32>,
    %slice3A_50 = vector.extract_strided_slice %get3A_49 {offsets = [0], sizes = [1], strides = [1]} : vector<16xi32> to vector<1xi32>
    %squeeze3A_51 = vector.extract %slice3A_50[0] : i32 from vector<1xi32>
    %shift_right_arithmetic3A_52 = arith.constant 7 : i32
    %shift_right_arithmetic3A_53 = arith.shrsi %squeeze3A_51, %shift_right_arithmetic3A_52 : i32
    %mul3A_54 = arith.constant 128 : i32
    %mul3A_55 = arith.muli %shift_right_arithmetic3A_53, %mul3A_54 : i32
    %multiple_of3A_56 = tpu.assume_multiple %mul3A_55, 128 : i32
    %dma_start3A_57 = arith.constant 0 : i32
    %dma_start3A_58 = arith.constant 0 : i32
    %dma_start3A_59 = tpu.memref_slice %arg8[%dma_start3A_57, %dma_start3A_58] : memref<64x128xf32, #tpu.memory_space<vmem>> -> memref<64x128xf32, #tpu.memory_space<vmem>>
    %dma_start3A_60 = arith.constant 0 : i32
    %dma_start3A_61 = tpu.memref_slice %arg2[%dma_start3A_60, %multiple_of3A_56] : memref<64x1000001xf32, #tpu.memory_space<hbm>> -> memref<64x128xf32, #tpu.memory_space<hbm>>
    %dma_start3A_62 = arith.constant 0 : i32
    %dma_start3A_63 = arith.constant 0 : i32
    %dma_start3A_64 = tpu.memref_slice %arg8[%dma_start3A_62, %dma_start3A_63] : memref<64x128xf32, #tpu.memory_space<vmem>> -> memref<64x128xf32, #tpu.memory_space<vmem>>
    %dma_start3A_65 = arith.constant 0 : i32
    %dma_start3A_66 = tpu.memref_slice %arg2[%dma_start3A_65, %multiple_of3A_56] : memref<64x1000001xf32, #tpu.memory_space<hbm>> -> memref<64x128xf32, #tpu.memory_space<hbm>>
    tpu.enqueue_dma source(%dma_start3A_66 : memref<64x128xf32, #tpu.memory_space<hbm>>) target(%dma_start3A_64 : memref<64x128xf32, #tpu.memory_space<vmem>>) target_semaphore(%arg18 : memref<!tpu.dma_semaphore, #tpu.memory_space<semaphore_mem>>)
    %get3A_67 = arith.constant 3 : index
    %get3A_68 = tpu.vector_load %arg5[%get3A_67] {strides = array<i32>} : memref<528xi32, #tpu.memory_space<vmem>>, vector<16xi32>,
    %slice3A_69 = vector.extract_strided_slice %get3A_68 {offsets = [0], sizes = [1], strides = [1]} : vector<16xi32> to vector<1xi32>
    %squeeze3A_70 = vector.extract %slice3A_69[0] : i32 from vector<1xi32>
    %shift_right_arithmetic3A_71 = arith.constant 7 : i32
    %shift_right_arithmetic3A_72 = arith.shrsi %squeeze3A_70, %shift_right_arithmetic3A_71 : i32
    %mul3A_73 = arith.constant 128 : i32
    %mul3A_74 = arith.muli %shift_right_arithmetic3A_72, %mul3A_73 : i32
    %multiple_of3A_75 = tpu.assume_multiple %mul3A_74, 128 : i32
    %dma_start3A_76 = arith.constant 0 : i32
    %dma_start3A_77 = arith.constant 0 : i32
    %dma_start3A_78 = tpu.memref_slice %arg9[%dma_start3A_76, %dma_start3A_77] : memref<64x128xf32, #tpu.memory_space<vmem>> -> memref<64x128xf32, #tpu.memory_space<vmem>>
    %dma_start3A_79 = arith.constant 0 : i32
    %dma_start3A_80 = tpu.memref_slice %arg2[%dma_start3A_79, %multiple_of3A_75] : memref<64x1000001xf32, #tpu.memory_space<hbm>> -> memref<64x128xf32, #tpu.memory_space<hbm>>
    %dma_start3A_81 = arith.constant 0 : i32
    %dma_start3A_82 = arith.constant 0 : i32
    %dma_start3A_83 = tpu.memref_slice %arg9[%dma_start3A_81, %dma_start3A_82] : memref<64x128xf32, #tpu.memory_space<vmem>> -> memref<64x128xf32, #tpu.memory_space<vmem>>
    %dma_start3A_84 = arith.constant 0 : i32
    %dma_start3A_85 = tpu.memref_slice %arg2[%dma_start3A_84, %multiple_of3A_75] : memref<64x1000001xf32, #tpu.memory_space<hbm>> -> memref<64x128xf32, #tpu.memory_space<hbm>>
    tpu.enqueue_dma source(%dma_start3A_85 : memref<64x128xf32, #tpu.memory_space<hbm>>) target(%dma_start3A_83 : memref<64x128xf32, #tpu.memory_space<vmem>>) target_semaphore(%arg19 : memref<!tpu.dma_semaphore, #tpu.memory_space<semaphore_mem>>)
    %get3A_86 = arith.constant 4 : index
    %get3A_87 = tpu.vector_load %arg5[%get3A_86] {strides = array<i32>} : memref<528xi32, #tpu.memory_space<vmem>>, vector<16xi32>,
    %slice3A_88 = vector.extract_strided_slice %get3A_87 {offsets = [0], sizes = [1], strides = [1]} : vector<16xi32> to vector<1xi32>
    %squeeze3A_89 = vector.extract %slice3A_88[0] : i32 from vector<1xi32>
    %shift_right_arithmetic3A_90 = arith.constant 7 : i32
    %shift_right_arithmetic3A_91 = arith.shrsi %squeeze3A_89, %shift_right_arithmetic3A_90 : i32
    %mul3A_92 = arith.constant 128 : i32
    %mul3A_93 = arith.muli %shift_right_arithmetic3A_91, %mul3A_92 : i32
    %multiple_of3A_94 = tpu.assume_multiple %mul3A_93, 128 : i32
    %dma_start3A_95 = arith.constant 0 : i32
    %dma_start3A_96 = arith.constant 0 : i32
    %dma_start3A_97 = tpu.memref_slice %arg10[%dma_start3A_95, %dma_start3A_96] : memref<64x128xf32, #tpu.memory_space<vmem>> -> memref<64x128xf32, #tpu.memory_space<vmem>>
    %dma_start3A_98 = arith.constant 0 : i32
    %dma_start3A_99 = tpu.memref_slice %arg2[%dma_start3A_98, %multiple_of3A_94] : memref<64x1000001xf32, #tpu.memory_space<hbm>> -> memref<64x128xf32, #tpu.memory_space<hbm>>
    %dma_start3A_100 = arith.constant 0 : i32
    %dma_start3A_101 = arith.constant 0 : i32
    %dma_start3A_102 = tpu.memref_slice %arg10[%dma_start3A_100, %dma_start3A_101] : memref<64x128xf32, #tpu.memory_space<vmem>> -> memref<64x128xf32, #tpu.memory_space<vmem>>
    %dma_start3A_103 = arith.constant 0 : i32
    %dma_start3A_104 = tpu.memref_slice %arg2[%dma_start3A_103, %multiple_of3A_94] : memref<64x1000001xf32, #tpu.memory_space<hbm>> -> memref<64x128xf32, #tpu.memory_space<hbm>>
    tpu.enqueue_dma source(%dma_start3A_104 : memref<64x128xf32, #tpu.memory_space<hbm>>) target(%dma_start3A_102 : memref<64x128xf32, #tpu.memory_space<vmem>>) target_semaphore(%arg20 : memref<!tpu.dma_semaphore, #tpu.memory_space<semaphore_mem>>)
    %get3A_105 = arith.constant 5 : index
    %get3A_106 = tpu.vector_load %arg5[%get3A_105] {strides = array<i32>} : memref<528xi32, #tpu.memory_space<vmem>>, vector<16xi32>,
    %slice3A_107 = vector.extract_strided_slice %get3A_106 {offsets = [0], sizes = [1], strides = [1]} : vector<16xi32> to vector<1xi32>
    %squeeze3A_108 = vector.extract %slice3A_107[0] : i32 from vector<1xi32>
    %shift_right_arithmetic3A_109 = arith.constant 7 : i32
    %shift_right_arithmetic3A_110 = arith.shrsi %squeeze3A_108, %shift_right_arithmetic3A_109 : i32
    %mul3A_111 = arith.constant 128 : i32
    %mul3A_112 = arith.muli %shift_right_arithmetic3A_110, %mul3A_111 : i32
    %multiple_of3A_113 = tpu.assume_multiple %mul3A_112, 128 : i32
    %dma_start3A_114 = arith.constant 0 : i32
    %dma_start3A_115 = arith.constant 0 : i32
    %dma_start3A_116 = tpu.memref_slice %arg11[%dma_start3A_114, %dma_start3A_115] : memref<64x128xf32, #tpu.memory_space<vmem>> -> memref<64x128xf32, #tpu.memory_space<vmem>>
    %dma_start3A_117 = arith.constant 0 : i32
    %dma_start3A_118 = tpu.memref_slice %arg2[%dma_start3A_117, %multiple_of3A_113] : memref<64x1000001xf32, #tpu.memory_space<hbm>> -> memref<64x128xf32, #tpu.memory_space<hbm>>
    %dma_start3A_119 = arith.constant 0 : i32
    %dma_start3A_120 = arith.constant 0 : i32
    %dma_start3A_121 = tpu.memref_slice %arg11[%dma_start3A_119, %dma_start3A_120] : memref<64x128xf32, #tpu.memory_space<vmem>> -> memref<64x128xf32, #tpu.memory_space<vmem>>
    %dma_start3A_122 = arith.constant 0 : i32
    %dma_start3A_123 = tpu.memref_slice %arg2[%dma_start3A_122, %multiple_of3A_113] : memref<64x1000001xf32, #tpu.memory_space<hbm>> -> memref<64x128xf32, #tpu.memory_space<hbm>>
    tpu.enqueue_dma source(%dma_start3A_123 : memref<64x128xf32, #tpu.memory_space<hbm>>) target(%dma_start3A_121 : memref<64x128xf32, #tpu.memory_space<vmem>>) target_semaphore(%arg21 : memref<!tpu.dma_semaphore, #tpu.memory_space<semaphore_mem>>)
    %get3A_124 = arith.constant 6 : index
    %get3A_125 = tpu.vector_load %arg5[%get3A_124] {strides = array<i32>} : memref<528xi32, #tpu.memory_space<vmem>>, vector<16xi32>,
    %slice3A_126 = vector.extract_strided_slice %get3A_125 {offsets = [0], sizes = [1], strides = [1]} : vector<16xi32> to vector<1xi32>
    %squeeze3A_127 = vector.extract %slice3A_126[0] : i32 from vector<1xi32>
    %shift_right_arithmetic3A_128 = arith.constant 7 : i32
    %shift_right_arithmetic3A_129 = arith.shrsi %squeeze3A_127, %shift_right_arithmetic3A_128 : i32
    %mul3A_130 = arith.constant 128 : i32
    %mul3A_131 = arith.muli %shift_right_arithmetic3A_129, %mul3A_130 : i32
    %multiple_of3A_132 = tpu.assume_multiple %mul3A_131, 128 : i32
    %dma_start3A_133 = arith.constant 0 : i32
    %dma_start3A_134 = arith.constant 0 : i32
    %dma_start3A_135 = tpu.memref_slice %arg12[%dma_start3A_133, %dma_start3A_134] : memref<64x128xf32, #tpu.memory_space<vmem>> -> memref<64x128xf32, #tpu.memory_space<vmem>>
    %dma_start3A_136 = arith.constant 0 : i32
    %dma_start3A_137 = tpu.memref_slice %arg2[%dma_start3A_136, %multiple_of3A_132] : memref<64x1000001xf32, #tpu.memory_space<hbm>> -> memref<64x128xf32, #tpu.memory_space<hbm>>
    %dma_start3A_138 = arith.constant 0 : i32
    %dma_start3A_139 = arith.constant 0 : i32
    %dma_start3A_140 = tpu.memref_slice %arg12[%dma_start3A_138, %dma_start3A_139] : memref<64x128xf32, #tpu.memory_space<vmem>> -> memref<64x128xf32, #tpu.memory_space<vmem>>
    %dma_start3A_141 = arith.constant 0 : i32
    %dma_start3A_142 = tpu.memref_slice %arg2[%dma_start3A_141, %multiple_of3A_132] : memref<64x1000001xf32, #tpu.memory_space<hbm>> -> memref<64x128xf32, #tpu.memory_space<hbm>>
    tpu.enqueue_dma source(%dma_start3A_142 : memref<64x128xf32, #tpu.memory_space<hbm>>) target(%dma_start3A_140 : memref<64x128xf32, #tpu.memory_space<vmem>>) target_semaphore(%arg22 : memref<!tpu.dma_semaphore, #tpu.memory_space<semaphore_mem>>)
    %get3A_143 = arith.constant 7 : index
    %get3A_144 = tpu.vector_load %arg5[%get3A_143] {strides = array<i32>} : memref<528xi32, #tpu.memory_space<vmem>>, vector<16xi32>,
    %slice3A_145 = vector.extract_strided_slice %get3A_144 {offsets = [0], sizes = [1], strides = [1]} : vector<16xi32> to vector<1xi32>
    %squeeze3A_146 = vector.extract %slice3A_145[0] : i32 from vector<1xi32>
    %shift_right_arithmetic3A_147 = arith.constant 7 : i32
    %shift_right_arithmetic3A_148 = arith.shrsi %squeeze3A_146, %shift_right_arithmetic3A_147 : i32
    %mul3A_149 = arith.constant 128 : i32
    %mul3A_150 = arith.muli %shift_right_arithmetic3A_148, %mul3A_149 : i32
    %multiple_of3A_151 = tpu.assume_multiple %mul3A_150, 128 : i32
    %dma_start3A_152 = arith.constant 0 : i32
    %dma_start3A_153 = arith.constant 0 : i32
    %dma_start3A_154 = tpu.memref_slice %arg13[%dma_start3A_152, %dma_start3A_153] : memref<64x128xf32, #tpu.memory_space<vmem>> -> memref<64x128xf32, #tpu.memory_space<vmem>>
    %dma_start3A_155 = arith.constant 0 : i32
    %dma_start3A_156 = tpu.memref_slice %arg2[%dma_start3A_155, %multiple_of3A_151] : memref<64x1000001xf32, #tpu.memory_space<hbm>> -> memref<64x128xf32, #tpu.memory_space<hbm>>
    %dma_start3A_157 = arith.constant 0 : i32
    %dma_start3A_158 = arith.constant 0 : i32
    %dma_start3A_159 = tpu.memref_slice %arg13[%dma_start3A_157, %dma_start3A_158] : memref<64x128xf32, #tpu.memory_space<vmem>> -> memref<64x128xf32, #tpu.memory_space<vmem>>
    %dma_start3A_160 = arith.constant 0 : i32
    %dma_start3A_161 = tpu.memref_slice %arg2[%dma_start3A_160, %multiple_of3A_151] : memref<64x1000001xf32, #tpu.memory_space<hbm>> -> memref<64x128xf32, #tpu.memory_space<hbm>>
    tpu.enqueue_dma source(%dma_start3A_161 : memref<64x128xf32, #tpu.memory_space<hbm>>) target(%dma_start3A_159 : memref<64x128xf32, #tpu.memory_space<vmem>>) target_semaphore(%arg23 : memref<!tpu.dma_semaphore, #tpu.memory_space<semaphore_mem>>)
    %scan3A = arith.constant 0 : i32
    %scan3A_162 = arith.constant 63 : i32
    %scan3A_163 = arith.addi %scan3A, %scan3A_162 : i32
    %scan3A_164 = arith.constant 1 : i32
    scf.for %scan3A_619 = %scan3A to %scan3A_163 step %scan3A_164  : i32 {
      %mul3A_620 = arith.constant 8 : i32
      %mul3A_621 = arith.muli %scan3A_619, %mul3A_620 : i32
      %add3A_622 = arith.constant 0 : i32
      %add3A_623 = arith.addi %mul3A_621, %add3A_622 : i32
      %mul3A_624 = arith.constant 1 : i32
      %mul3A_625 = arith.muli %add3A_623, %mul3A_624 : i32
      %dma_wait3A_626 = arith.constant 0 : i32
      %dma_wait3A_627 = arith.constant 0 : i32
      %dma_wait3A_628 = tpu.memref_slice %arg6[%dma_wait3A_626, %dma_wait3A_627] : memref<64x128xf32, #tpu.memory_space<vmem>> -> memref<64x128xf32, #tpu.memory_space<vmem>>
      %dma_wait3A_629 = arith.constant 0 : i32
      %dma_wait3A_630 = arith.constant 0 : i32
      %dma_wait3A_631 = tpu.memref_slice %arg2[%dma_wait3A_629, %dma_wait3A_630] : memref<64x1000001xf32, #tpu.memory_space<hbm>> -> memref<64x128xf32, #tpu.memory_space<hbm>>
      %dma_wait3A_632 = arith.constant 0 : i32
      %dma_wait3A_633 = arith.constant 0 : i32
      %dma_wait3A_634 = tpu.memref_slice %arg6[%dma_wait3A_632, %dma_wait3A_633] : memref<64x128xf32, #tpu.memory_space<vmem>> -> memref<64x128xf32, #tpu.memory_space<vmem>>
      %dma_wait3A_635 = arith.constant 0 : i32
      %dma_wait3A_636 = arith.constant 0 : i32
      %dma_wait3A_637 = tpu.memref_slice %arg2[%dma_wait3A_635, %dma_wait3A_636] : memref<64x1000001xf32, #tpu.memory_space<hbm>> -> memref<64x128xf32, #tpu.memory_space<hbm>>
      tpu.wait_dma2 semaphore(%arg16 : memref<!tpu.dma_semaphore, #tpu.memory_space<semaphore_mem>>) src(%dma_wait3A_637 : memref<64x128xf32, #tpu.memory_space<hbm>>) dst(%dma_wait3A_634 : memref<64x128xf32, #tpu.memory_space<vmem>>)
      %get3A_638 = arith.index_cast %mul3A_625 : i32 to index
      %get3A_639 = tpu.vector_load %arg5[%get3A_638] {strides = array<i32>} : memref<528xi32, #tpu.memory_space<vmem>>, vector<16xi32>,
      %slice3A_640 = vector.extract_strided_slice %get3A_639 {offsets = [0], sizes = [1], strides = [1]} : vector<16xi32> to vector<1xi32>
      %squeeze3A_641 = vector.extract %slice3A_640[0] : i32 from vector<1xi32>
      %and3A_642 = arith.constant 127 : i32
      %and3A_643 = arith.andi %squeeze3A_641, %and3A_642 : i32
      %broadcast_in_dim3A_644 = vector.broadcast %and3A_643 : i32 to vector<16xi32>
      %add3A_645 = arith.constant 0 : i32
      %add3A_646 = arith.addi %mul3A_625, %add3A_645 : i32
      %broadcast_in_dim3A_647 = vector.broadcast %add3A_646 : i32 to vector<16xi32>
      %iota3A_648 = tpu.iota {dimensions = array<i32: 0>} : vector<16xi32>
      %add3A_649 = arith.constant 0 : i32
      %add3A_650 = vector.broadcast %add3A_649 : i32 to vector<16xi32>
      %add3A_651 = arith.addi %iota3A_648, %add3A_650 : vector<16xi32>
      %gather3A_652 = tpu.vector_load_idx %arg6[%add3A_651, %broadcast_in_dim3A_644] : memref<64x128xf32, #tpu.memory_space<vmem>>[vector<16xi32>, vector<16xi32>], vector<16xf32>,
      %iota3A_653 = tpu.iota {dimensions = array<i32: 0>} : vector<16xi32>
      %add3A_654 = arith.constant 0 : i32
      %add3A_655 = vector.broadcast %add3A_654 : i32 to vector<16xi32>
      %add3A_656 = arith.addi %iota3A_653, %add3A_655 : vector<16xi32>
      tpu.vector_store_idx %arg14[%add3A_656, %broadcast_in_dim3A_647], %gather3A_652 : memref<64x512xf32, #tpu.memory_space<vmem>>[vector<16xi32>, vector<16xi32>], vector<16xf32>,
      %iota3A_657 = tpu.iota {dimensions = array<i32: 0>} : vector<16xi32>
      %add3A_658 = arith.constant 16 : i32
      %add3A_659 = vector.broadcast %add3A_658 : i32 to vector<16xi32>
      %add3A_660 = arith.addi %iota3A_657, %add3A_659 : vector<16xi32>
      %gather3A_661 = tpu.vector_load_idx %arg6[%add3A_660, %broadcast_in_dim3A_644] : memref<64x128xf32, #tpu.memory_space<vmem>>[vector<16xi32>, vector<16xi32>], vector<16xf32>,
      %iota3A_662 = tpu.iota {dimensions = array<i32: 0>} : vector<16xi32>
      %add3A_663 = arith.constant 16 : i32
      %add3A_664 = vector.broadcast %add3A_663 : i32 to vector<16xi32>
      %add3A_665 = arith.addi %iota3A_662, %add3A_664 : vector<16xi32>
      tpu.vector_store_idx %arg14[%add3A_665, %broadcast_in_dim3A_647], %gather3A_661 : memref<64x512xf32, #tpu.memory_space<vmem>>[vector<16xi32>, vector<16xi32>], vector<16xf32>,
      %iota3A_666 = tpu.iota {dimensions = array<i32: 0>} : vector<16xi32>
      %add3A_667 = arith.constant 32 : i32
      %add3A_668 = vector.broadcast %add3A_667 : i32 to vector<16xi32>
      %add3A_669 = arith.addi %iota3A_666, %add3A_668 : vector<16xi32>
      %gather3A_670 = tpu.vector_load_idx %arg6[%add3A_669, %broadcast_in_dim3A_644] : memref<64x128xf32, #tpu.memory_space<vmem>>[vector<16xi32>, vector<16xi32>], vector<16xf32>,
      %iota3A_671 = tpu.iota {dimensions = array<i32: 0>} : vector<16xi32>
      %add3A_672 = arith.constant 32 : i32
      %add3A_673 = vector.broadcast %add3A_672 : i32 to vector<16xi32>
      %add3A_674 = arith.addi %iota3A_671, %add3A_673 : vector<16xi32>
      tpu.vector_store_idx %arg14[%add3A_674, %broadcast_in_dim3A_647], %gather3A_670 : memref<64x512xf32, #tpu.memory_space<vmem>>[vector<16xi32>, vector<16xi32>], vector<16xf32>,
      %iota3A_675 = tpu.iota {dimensions = array<i32: 0>} : vector<16xi32>
      %add3A_676 = arith.constant 48 : i32
      %add3A_677 = vector.broadcast %add3A_676 : i32 to vector<16xi32>
      %add3A_678 = arith.addi %iota3A_675, %add3A_677 : vector<16xi32>
      %gather3A_679 = tpu.vector_load_idx %arg6[%add3A_678, %broadcast_in_dim3A_644] : memref<64x128xf32, #tpu.memory_space<vmem>>[vector<16xi32>, vector<16xi32>], vector<16xf32>,
      %iota3A_680 = tpu.iota {dimensions = array<i32: 0>} : vector<16xi32>
      %add3A_681 = arith.constant 48 : i32
      %add3A_682 = vector.broadcast %add3A_681 : i32 to vector<16xi32>
      %add3A_683 = arith.addi %iota3A_680, %add3A_682 : vector<16xi32>
      tpu.vector_store_idx %arg14[%add3A_683, %broadcast_in_dim3A_647], %gather3A_679 : memref<64x512xf32, #tpu.memory_space<vmem>>[vector<16xi32>, vector<16xi32>], vector<16xf32>,
      %add3A_684 = arith.constant 8 : i32
      %add3A_685 = arith.addi %mul3A_625, %add3A_684 : i32
      %get3A_686 = arith.index_cast %add3A_685 : i32 to index
      %get3A_687 = tpu.vector_load %arg5[%get3A_686] {strides = array<i32>} : memref<528xi32, #tpu.memory_space<vmem>>, vector<16xi32>,
      %slice3A_688 = vector.extract_strided_slice %get3A_687 {offsets = [0], sizes = [1], strides = [1]} : vector<16xi32> to vector<1xi32>
      %squeeze3A_689 = vector.extract %slice3A_688[0] : i32 from vector<1xi32>
      %shift_right_arithmetic3A_690 = arith.constant 7 : i32
      %shift_right_arithmetic3A_691 = arith.shrsi %squeeze3A_689, %shift_right_arithmetic3A_690 : i32
      %mul3A_692 = arith.constant 128 : i32
      %mul3A_693 = arith.muli %shift_right_arithmetic3A_691, %mul3A_692 : i32
      %multiple_of3A_694 = tpu.assume_multiple %mul3A_693, 128 : i32
      %dma_start3A_695 = arith.constant 0 : i32
      %dma_start3A_696 = arith.constant 0 : i32
      %dma_start3A_697 = tpu.memref_slice %arg6[%dma_start3A_695, %dma_start3A_696] : memref<64x128xf32, #tpu.memory_space<vmem>> -> memref<64x128xf32, #tpu.memory_space<vmem>>
      %dma_start3A_698 = arith.constant 0 : i32
      %dma_start3A_699 = tpu.memref_slice %arg2[%dma_start3A_698, %multiple_of3A_694] : memref<64x1000001xf32, #tpu.memory_space<hbm>> -> memref<64x128xf32, #tpu.memory_space<hbm>>
      %dma_start3A_700 = arith.constant 0 : i32
      %dma_start3A_701 = arith.constant 0 : i32
      %dma_start3A_702 = tpu.memref_slice %arg6[%dma_start3A_700, %dma_start3A_701] : memref<64x128xf32, #tpu.memory_space<vmem>> -> memref<64x128xf32, #tpu.memory_space<vmem>>
      %dma_start3A_703 = arith.constant 0 : i32
      %dma_start3A_704 = tpu.memref_slice %arg2[%dma_start3A_703, %multiple_of3A_694] : memref<64x1000001xf32, #tpu.memory_space<hbm>> -> memref<64x128xf32, #tpu.memory_space<hbm>>
      tpu.enqueue_dma source(%dma_start3A_704 : memref<64x128xf32, #tpu.memory_space<hbm>>) target(%dma_start3A_702 : memref<64x128xf32, #tpu.memory_space<vmem>>) target_semaphore(%arg16 : memref<!tpu.dma_semaphore, #tpu.memory_space<semaphore_mem>>)
      %add3A_705 = arith.constant 1 : i32
      %add3A_706 = arith.addi %mul3A_621, %add3A_705 : i32
      %mul3A_707 = arith.constant 1 : i32
      %mul3A_708 = arith.muli %add3A_706, %mul3A_707 : i32
      %dma_wait3A_709 = arith.constant 0 : i32
      %dma_wait3A_710 = arith.constant 0 : i32
      %dma_wait3A_711 = tpu.memref_slice %arg7[%dma_wait3A_709, %dma_wait3A_710] : memref<64x128xf32, #tpu.memory_space<vmem>> -> memref<64x128xf32, #tpu.memory_space<vmem>>
      %dma_wait3A_712 = arith.constant 0 : i32
      %dma_wait3A_713 = arith.constant 0 : i32
      %dma_wait3A_714 = tpu.memref_slice %arg2[%dma_wait3A_712, %dma_wait3A_713] : memref<64x1000001xf32, #tpu.memory_space<hbm>> -> memref<64x128xf32, #tpu.memory_space<hbm>>
      %dma_wait3A_715 = arith.constant 0 : i32
      %dma_wait3A_716 = arith.constant 0 : i32
      %dma_wait3A_717 = tpu.memref_slice %arg7[%dma_wait3A_715, %dma_wait3A_716] : memref<64x128xf32, #tpu.memory_space<vmem>> -> memref<64x128xf32, #tpu.memory_space<vmem>>
      %dma_wait3A_718 = arith.constant 0 : i32
      %dma_wait3A_719 = arith.constant 0 : i32
      %dma_wait3A_720 = tpu.memref_slice %arg2[%dma_wait3A_718, %dma_wait3A_719] : memref<64x1000001xf32, #tpu.memory_space<hbm>> -> memref<64x128xf32, #tpu.memory_space<hbm>>
      tpu.wait_dma2 semaphore(%arg17 : memref<!tpu.dma_semaphore, #tpu.memory_space<semaphore_mem>>) src(%dma_wait3A_720 : memref<64x128xf32, #tpu.memory_space<hbm>>) dst(%dma_wait3A_717 : memref<64x128xf32, #tpu.memory_space<vmem>>)
      %get3A_721 = arith.index_cast %mul3A_708 : i32 to index
      %get3A_722 = tpu.vector_load %arg5[%get3A_721] {strides = array<i32>} : memref<528xi32, #tpu.memory_space<vmem>>, vector<16xi32>,
      %slice3A_723 = vector.extract_strided_slice %get3A_722 {offsets = [0], sizes = [1], strides = [1]} : vector<16xi32> to vector<1xi32>
      %squeeze3A_724 = vector.extract %slice3A_723[0] : i32 from vector<1xi32>
      %and3A_725 = arith.constant 127 : i32
      %and3A_726 = arith.andi %squeeze3A_724, %and3A_725 : i32
      %broadcast_in_dim3A_727 = vector.broadcast %and3A_726 : i32 to vector<16xi32>
      %add3A_728 = arith.constant 0 : i32
      %add3A_729 = arith.addi %mul3A_708, %add3A_728 : i32
      %broadcast_in_dim3A_730 = vector.broadcast %add3A_729 : i32 to vector<16xi32>
      %iota3A_731 = tpu.iota {dimensions = array<i32: 0>} : vector<16xi32>
      %add3A_732 = arith.constant 0 : i32
      %add3A_733 = vector.broadcast %add3A_732 : i32 to vector<16xi32>
      %add3A_734 = arith.addi %iota3A_731, %add3A_733 : vector<16xi32>
      %gather3A_735 = tpu.vector_load_idx %arg7[%add3A_734, %broadcast_in_dim3A_727] : memref<64x128xf32, #tpu.memory_space<vmem>>[vector<16xi32>, vector<16xi32>], vector<16xf32>,
      %iota3A_736 = tpu.iota {dimensions = array<i32: 0>} : vector<16xi32>
      %add3A_737 = arith.constant 0 : i32
      %add3A_738 = vector.broadcast %add3A_737 : i32 to vector<16xi32>
      %add3A_739 = arith.addi %iota3A_736, %add3A_738 : vector<16xi32>
      tpu.vector_store_idx %arg14[%add3A_739, %broadcast_in_dim3A_730], %gather3A_735 : memref<64x512xf32, #tpu.memory_space<vmem>>[vector<16xi32>, vector<16xi32>], vector<16xf32>,
      %iota3A_740 = tpu.iota {dimensions = array<i32: 0>} : vector<16xi32>
      %add3A_741 = arith.constant 16 : i32
      %add3A_742 = vector.broadcast %add3A_741 : i32 to vector<16xi32>
      %add3A_743 = arith.addi %iota3A_740, %add3A_742 : vector<16xi32>
      %gather3A_744 = tpu.vector_load_idx %arg7[%add3A_743, %broadcast_in_dim3A_727] : memref<64x128xf32, #tpu.memory_space<vmem>>[vector<16xi32>, vector<16xi32>], vector<16xf32>,
      %iota3A_745 = tpu.iota {dimensions = array<i32: 0>} : vector<16xi32>
      %add3A_746 = arith.constant 16 : i32
      %add3A_747 = vector.broadcast %add3A_746 : i32 to vector<16xi32>
      %add3A_748 = arith.addi %iota3A_745, %add3A_747 : vector<16xi32>
      tpu.vector_store_idx %arg14[%add3A_748, %broadcast_in_dim3A_730], %gather3A_744 : memref<64x512xf32, #tpu.memory_space<vmem>>[vector<16xi32>, vector<16xi32>], vector<16xf32>,
      %iota3A_749 = tpu.iota {dimensions = array<i32: 0>} : vector<16xi32>
      %add3A_750 = arith.constant 32 : i32
      %add3A_751 = vector.broadcast %add3A_750 : i32 to vector<16xi32>
      %add3A_752 = arith.addi %iota3A_749, %add3A_751 : vector<16xi32>
      %gather3A_753 = tpu.vector_load_idx %arg7[%add3A_752, %broadcast_in_dim3A_727] : memref<64x128xf32, #tpu.memory_space<vmem>>[vector<16xi32>, vector<16xi32>], vector<16xf32>,
      %iota3A_754 = tpu.iota {dimensions = array<i32: 0>} : vector<16xi32>
      %add3A_755 = arith.constant 32 : i32
      %add3A_756 = vector.broadcast %add3A_755 : i32 to vector<16xi32>
      %add3A_757 = arith.addi %iota3A_754, %add3A_756 : vector<16xi32>
      tpu.vector_store_idx %arg14[%add3A_757, %broadcast_in_dim3A_730], %gather3A_753 : memref<64x512xf32, #tpu.memory_space<vmem>>[vector<16xi32>, vector<16xi32>], vector<16xf32>,
      %iota3A_758 = tpu.iota {dimensions = array<i32: 0>} : vector<16xi32>
      %add3A_759 = arith.constant 48 : i32
      %add3A_760 = vector.broadcast %add3A_759 : i32 to vector<16xi32>
      %add3A_761 = arith.addi %iota3A_758, %add3A_760 : vector<16xi32>
      %gather3A_762 = tpu.vector_load_idx %arg7[%add3A_761, %broadcast_in_dim3A_727] : memref<64x128xf32, #tpu.memory_space<vmem>>[vector<16xi32>, vector<16xi32>], vector<16xf32>,
      %iota3A_763 = tpu.iota {dimensions = array<i32: 0>} : vector<16xi32>
      %add3A_764 = arith.constant 48 : i32
      %add3A_765 = vector.broadcast %add3A_764 : i32 to vector<16xi32>
      %add3A_766 = arith.addi %iota3A_763, %add3A_765 : vector<16xi32>
      tpu.vector_store_idx %arg14[%add3A_766, %broadcast_in_dim3A_730], %gather3A_762 : memref<64x512xf32, #tpu.memory_space<vmem>>[vector<16xi32>, vector<16xi32>], vector<16xf32>,
      %add3A_767 = arith.constant 8 : i32
      %add3A_768 = arith.addi %mul3A_708, %add3A_767 : i32
      %get3A_769 = arith.index_cast %add3A_768 : i32 to index
      %get3A_770 = tpu.vector_load %arg5[%get3A_769] {strides = array<i32>} : memref<528xi32, #tpu.memory_space<vmem>>, vector<16xi32>,
      %slice3A_771 = vector.extract_strided_slice %get3A_770 {offsets = [0], sizes = [1], strides = [1]} : vector<16xi32> to vector<1xi32>
      %squeeze3A_772 = vector.extract %slice3A_771[0] : i32 from vector<1xi32>
      %shift_right_arithmetic3A_773 = arith.constant 7 : i32
      %shift_right_arithmetic3A_774 = arith.shrsi %squeeze3A_772, %shift_right_arithmetic3A_773 : i32
      %mul3A_775 = arith.constant 128 : i32
      %mul3A_776 = arith.muli %shift_right_arithmetic3A_774, %mul3A_775 : i32
      %multiple_of3A_777 = tpu.assume_multiple %mul3A_776, 128 : i32
      %dma_start3A_778 = arith.constant 0 : i32
      %dma_start3A_779 = arith.constant 0 : i32
      %dma_start3A_780 = tpu.memref_slice %arg7[%dma_start3A_778, %dma_start3A_779] : memref<64x128xf32, #tpu.memory_space<vmem>> -> memref<64x128xf32, #tpu.memory_space<vmem>>
      %dma_start3A_781 = arith.constant 0 : i32
      %dma_start3A_782 = tpu.memref_slice %arg2[%dma_start3A_781, %multiple_of3A_777] : memref<64x1000001xf32, #tpu.memory_space<hbm>> -> memref<64x128xf32, #tpu.memory_space<hbm>>
      %dma_start3A_783 = arith.constant 0 : i32
      %dma_start3A_784 = arith.constant 0 : i32
      %dma_start3A_785 = tpu.memref_slice %arg7[%dma_start3A_783, %dma_start3A_784] : memref<64x128xf32, #tpu.memory_space<vmem>> -> memref<64x128xf32, #tpu.memory_space<vmem>>
      %dma_start3A_786 = arith.constant 0 : i32
      %dma_start3A_787 = tpu.memref_slice %arg2[%dma_start3A_786, %multiple_of3A_777] : memref<64x1000001xf32, #tpu.memory_space<hbm>> -> memref<64x128xf32, #tpu.memory_space<hbm>>
      tpu.enqueue_dma source(%dma_start3A_787 : memref<64x128xf32, #tpu.memory_space<hbm>>) target(%dma_start3A_785 : memref<64x128xf32, #tpu.memory_space<vmem>>) target_semaphore(%arg17 : memref<!tpu.dma_semaphore, #tpu.memory_space<semaphore_mem>>)
      %add3A_788 = arith.constant 2 : i32
      %add3A_789 = arith.addi %mul3A_621, %add3A_788 : i32
      %mul3A_790 = arith.constant 1 : i32
      %mul3A_791 = arith.muli %add3A_789, %mul3A_790 : i32
      %dma_wait3A_792 = arith.constant 0 : i32
      %dma_wait3A_793 = arith.constant 0 : i32
      %dma_wait3A_794 = tpu.memref_slice %arg8[%dma_wait3A_792, %dma_wait3A_793] : memref<64x128xf32, #tpu.memory_space<vmem>> -> memref<64x128xf32, #tpu.memory_space<vmem>>
      %dma_wait3A_795 = arith.constant 0 : i32
      %dma_wait3A_796 = arith.constant 0 : i32
      %dma_wait3A_797 = tpu.memref_slice %arg2[%dma_wait3A_795, %dma_wait3A_796] : memref<64x1000001xf32, #tpu.memory_space<hbm>> -> memref<64x128xf32, #tpu.memory_space<hbm>>
      %dma_wait3A_798 = arith.constant 0 : i32
      %dma_wait3A_799 = arith.constant 0 : i32
      %dma_wait3A_800 = tpu.memref_slice %arg8[%dma_wait3A_798, %dma_wait3A_799] : memref<64x128xf32, #tpu.memory_space<vmem>> -> memref<64x128xf32, #tpu.memory_space<vmem>>
      %dma_wait3A_801 = arith.constant 0 : i32
      %dma_wait3A_802 = arith.constant 0 : i32
      %dma_wait3A_803 = tpu.memref_slice %arg2[%dma_wait3A_801, %dma_wait3A_802] : memref<64x1000001xf32, #tpu.memory_space<hbm>> -> memref<64x128xf32, #tpu.memory_space<hbm>>
      tpu.wait_dma2 semaphore(%arg18 : memref<!tpu.dma_semaphore, #tpu.memory_space<semaphore_mem>>) src(%dma_wait3A_803 : memref<64x128xf32, #tpu.memory_space<hbm>>) dst(%dma_wait3A_800 : memref<64x128xf32, #tpu.memory_space<vmem>>)
      %get3A_804 = arith.index_cast %mul3A_791 : i32 to index
      %get3A_805 = tpu.vector_load %arg5[%get3A_804] {strides = array<i32>} : memref<528xi32, #tpu.memory_space<vmem>>, vector<16xi32>,
      %slice3A_806 = vector.extract_strided_slice %get3A_805 {offsets = [0], sizes = [1], strides = [1]} : vector<16xi32> to vector<1xi32>
      %squeeze3A_807 = vector.extract %slice3A_806[0] : i32 from vector<1xi32>
      %and3A_808 = arith.constant 127 : i32
      %and3A_809 = arith.andi %squeeze3A_807, %and3A_808 : i32
      %broadcast_in_dim3A_810 = vector.broadcast %and3A_809 : i32 to vector<16xi32>
      %add3A_811 = arith.constant 0 : i32
      %add3A_812 = arith.addi %mul3A_791, %add3A_811 : i32
      %broadcast_in_dim3A_813 = vector.broadcast %add3A_812 : i32 to vector<16xi32>
      %iota3A_814 = tpu.iota {dimensions = array<i32: 0>} : vector<16xi32>
      %add3A_815 = arith.constant 0 : i32
      %add3A_816 = vector.broadcast %add3A_815 : i32 to vector<16xi32>
      %add3A_817 = arith.addi %iota3A_814, %add3A_816 : vector<16xi32>
      %gather3A_818 = tpu.vector_load_idx %arg8[%add3A_817, %broadcast_in_dim3A_810] : memref<64x128xf32, #tpu.memory_space<vmem>>[vector<16xi32>, vector<16xi32>], vector<16xf32>,
      %iota3A_819 = tpu.iota {dimensions = array<i32: 0>} : vector<16xi32>
      %add3A_820 = arith.constant 0 : i32
      %add3A_821 = vector.broadcast %add3A_820 : i32 to vector<16xi32>
      %add3A_822 = arith.addi %iota3A_819, %add3A_821 : vector<16xi32>
      tpu.vector_store_idx %arg14[%add3A_822, %broadcast_in_dim3A_813], %gather3A_818 : memref<64x512xf32, #tpu.memory_space<vmem>>[vector<16xi32>, vector<16xi32>], vector<16xf32>,
      %iota3A_823 = tpu.iota {dimensions = array<i32: 0>} : vector<16xi32>
      %add3A_824 = arith.constant 16 : i32
      %add3A_825 = vector.broadcast %add3A_824 : i32 to vector<16xi32>
      %add3A_826 = arith.addi %iota3A_823, %add3A_825 : vector<16xi32>
      %gather3A_827 = tpu.vector_load_idx %arg8[%add3A_826, %broadcast_in_dim3A_810] : memref<64x128xf32, #tpu.memory_space<vmem>>[vector<16xi32>, vector<16xi32>], vector<16xf32>,
      %iota3A_828 = tpu.iota {dimensions = array<i32: 0>} : vector<16xi32>
      %add3A_829 = arith.constant 16 : i32
      %add3A_830 = vector.broadcast %add3A_829 : i32 to vector<16xi32>
      %add3A_831 = arith.addi %iota3A_828, %add3A_830 : vector<16xi32>
      tpu.vector_store_idx %arg14[%add3A_831, %broadcast_in_dim3A_813], %gather3A_827 : memref<64x512xf32, #tpu.memory_space<vmem>>[vector<16xi32>, vector<16xi32>], vector<16xf32>,
      %iota3A_832 = tpu.iota {dimensions = array<i32: 0>} : vector<16xi32>
      %add3A_833 = arith.constant 32 : i32
      %add3A_834 = vector.broadcast %add3A_833 : i32 to vector<16xi32>
      %add3A_835 = arith.addi %iota3A_832, %add3A_834 : vector<16xi32>
      %gather3A_836 = tpu.vector_load_idx %arg8[%add3A_835, %broadcast_in_dim3A_810] : memref<64x128xf32, #tpu.memory_space<vmem>>[vector<16xi32>, vector<16xi32>], vector<16xf32>,
      %iota3A_837 = tpu.iota {dimensions = array<i32: 0>} : vector<16xi32>
      %add3A_838 = arith.constant 32 : i32
      %add3A_839 = vector.broadcast %add3A_838 : i32 to vector<16xi32>
      %add3A_840 = arith.addi %iota3A_837, %add3A_839 : vector<16xi32>
      tpu.vector_store_idx %arg14[%add3A_840, %broadcast_in_dim3A_813], %gather3A_836 : memref<64x512xf32, #tpu.memory_space<vmem>>[vector<16xi32>, vector<16xi32>], vector<16xf32>,
      %iota3A_841 = tpu.iota {dimensions = array<i32: 0>} : vector<16xi32>
      %add3A_842 = arith.constant 48 : i32
      %add3A_843 = vector.broadcast %add3A_842 : i32 to vector<16xi32>
      %add3A_844 = arith.addi %iota3A_841, %add3A_843 : vector<16xi32>
      %gather3A_845 = tpu.vector_load_idx %arg8[%add3A_844, %broadcast_in_dim3A_810] : memref<64x128xf32, #tpu.memory_space<vmem>>[vector<16xi32>, vector<16xi32>], vector<16xf32>,
      %iota3A_846 = tpu.iota {dimensions = array<i32: 0>} : vector<16xi32>
      %add3A_847 = arith.constant 48 : i32
      %add3A_848 = vector.broadcast %add3A_847 : i32 to vector<16xi32>
      %add3A_849 = arith.addi %iota3A_846, %add3A_848 : vector<16xi32>
      tpu.vector_store_idx %arg14[%add3A_849, %broadcast_in_dim3A_813], %gather3A_845 : memref<64x512xf32, #tpu.memory_space<vmem>>[vector<16xi32>, vector<16xi32>], vector<16xf32>,
      %add3A_850 = arith.constant 8 : i32
      %add3A_851 = arith.addi %mul3A_791, %add3A_850 : i32
      %get3A_852 = arith.index_cast %add3A_851 : i32 to index
      %get3A_853 = tpu.vector_load %arg5[%get3A_852] {strides = array<i32>} : memref<528xi32, #tpu.memory_space<vmem>>, vector<16xi32>,
      %slice3A_854 = vector.extract_strided_slice %get3A_853 {offsets = [0], sizes = [1], strides = [1]} : vector<16xi32> to vector<1xi32>
      %squeeze3A_855 = vector.extract %slice3A_854[0] : i32 from vector<1xi32>
      %shift_right_arithmetic3A_856 = arith.constant 7 : i32
      %shift_right_arithmetic3A_857 = arith.shrsi %squeeze3A_855, %shift_right_arithmetic3A_856 : i32
      %mul3A_858 = arith.constant 128 : i32
      %mul3A_859 = arith.muli %shift_right_arithmetic3A_857, %mul3A_858 : i32
      %multiple_of3A_860 = tpu.assume_multiple %mul3A_859, 128 : i32
      %dma_start3A_861 = arith.constant 0 : i32
      %dma_start3A_862 = arith.constant 0 : i32
      %dma_start3A_863 = tpu.memref_slice %arg8[%dma_start3A_861, %dma_start3A_862] : memref<64x128xf32, #tpu.memory_space<vmem>> -> memref<64x128xf32, #tpu.memory_space<vmem>>
      %dma_start3A_864 = arith.constant 0 : i32
      %dma_start3A_865 = tpu.memref_slice %arg2[%dma_start3A_864, %multiple_of3A_860] : memref<64x1000001xf32, #tpu.memory_space<hbm>> -> memref<64x128xf32, #tpu.memory_space<hbm>>
      %dma_start3A_866 = arith.constant 0 : i32
      %dma_start3A_867 = arith.constant 0 : i32
      %dma_start3A_868 = tpu.memref_slice %arg8[%dma_start3A_866, %dma_start3A_867] : memref<64x128xf32, #tpu.memory_space<vmem>> -> memref<64x128xf32, #tpu.memory_space<vmem>>
      %dma_start3A_869 = arith.constant 0 : i32
      %dma_start3A_870 = tpu.memref_slice %arg2[%dma_start3A_869, %multiple_of3A_860] : memref<64x1000001xf32, #tpu.memory_space<hbm>> -> memref<64x128xf32, #tpu.memory_space<hbm>>
      tpu.enqueue_dma source(%dma_start3A_870 : memref<64x128xf32, #tpu.memory_space<hbm>>) target(%dma_start3A_868 : memref<64x128xf32, #tpu.memory_space<vmem>>) target_semaphore(%arg18 : memref<!tpu.dma_semaphore, #tpu.memory_space<semaphore_mem>>)
      %add3A_871 = arith.constant 3 : i32
      %add3A_872 = arith.addi %mul3A_621, %add3A_871 : i32
      %mul3A_873 = arith.constant 1 : i32
      %mul3A_874 = arith.muli %add3A_872, %mul3A_873 : i32
      %dma_wait3A_875 = arith.constant 0 : i32
      %dma_wait3A_876 = arith.constant 0 : i32
      %dma_wait3A_877 = tpu.memref_slice %arg9[%dma_wait3A_875, %dma_wait3A_876] : memref<64x128xf32, #tpu.memory_space<vmem>> -> memref<64x128xf32, #tpu.memory_space<vmem>>
      %dma_wait3A_878 = arith.constant 0 : i32
      %dma_wait3A_879 = arith.constant 0 : i32
      %dma_wait3A_880 = tpu.memref_slice %arg2[%dma_wait3A_878, %dma_wait3A_879] : memref<64x1000001xf32, #tpu.memory_space<hbm>> -> memref<64x128xf32, #tpu.memory_space<hbm>>
      %dma_wait3A_881 = arith.constant 0 : i32
      %dma_wait3A_882 = arith.constant 0 : i32
      %dma_wait3A_883 = tpu.memref_slice %arg9[%dma_wait3A_881, %dma_wait3A_882] : memref<64x128xf32, #tpu.memory_space<vmem>> -> memref<64x128xf32, #tpu.memory_space<vmem>>
      %dma_wait3A_884 = arith.constant 0 : i32
      %dma_wait3A_885 = arith.constant 0 : i32
      %dma_wait3A_886 = tpu.memref_slice %arg2[%dma_wait3A_884, %dma_wait3A_885] : memref<64x1000001xf32, #tpu.memory_space<hbm>> -> memref<64x128xf32, #tpu.memory_space<hbm>>
      tpu.wait_dma2 semaphore(%arg19 : memref<!tpu.dma_semaphore, #tpu.memory_space<semaphore_mem>>) src(%dma_wait3A_886 : memref<64x128xf32, #tpu.memory_space<hbm>>) dst(%dma_wait3A_883 : memref<64x128xf32, #tpu.memory_space<vmem>>)
      %get3A_887 = arith.index_cast %mul3A_874 : i32 to index
      %get3A_888 = tpu.vector_load %arg5[%get3A_887] {strides = array<i32>} : memref<528xi32, #tpu.memory_space<vmem>>, vector<16xi32>,
      %slice3A_889 = vector.extract_strided_slice %get3A_888 {offsets = [0], sizes = [1], strides = [1]} : vector<16xi32> to vector<1xi32>
      %squeeze3A_890 = vector.extract %slice3A_889[0] : i32 from vector<1xi32>
      %and3A_891 = arith.constant 127 : i32
      %and3A_892 = arith.andi %squeeze3A_890, %and3A_891 : i32
      %broadcast_in_dim3A_893 = vector.broadcast %and3A_892 : i32 to vector<16xi32>
      %add3A_894 = arith.constant 0 : i32
      %add3A_895 = arith.addi %mul3A_874, %add3A_894 : i32
      %broadcast_in_dim3A_896 = vector.broadcast %add3A_895 : i32 to vector<16xi32>
      %iota3A_897 = tpu.iota {dimensions = array<i32: 0>} : vector<16xi32>
      %add3A_898 = arith.constant 0 : i32
      %add3A_899 = vector.broadcast %add3A_898 : i32 to vector<16xi32>
      %add3A_900 = arith.addi %iota3A_897, %add3A_899 : vector<16xi32>
      %gather3A_901 = tpu.vector_load_idx %arg9[%add3A_900, %broadcast_in_dim3A_893] : memref<64x128xf32, #tpu.memory_space<vmem>>[vector<16xi32>, vector<16xi32>], vector<16xf32>,
      %iota3A_902 = tpu.iota {dimensions = array<i32: 0>} : vector<16xi32>
      %add3A_903 = arith.constant 0 : i32
      %add3A_904 = vector.broadcast %add3A_903 : i32 to vector<16xi32>
      %add3A_905 = arith.addi %iota3A_902, %add3A_904 : vector<16xi32>
      tpu.vector_store_idx %arg14[%add3A_905, %broadcast_in_dim3A_896], %gather3A_901 : memref<64x512xf32, #tpu.memory_space<vmem>>[vector<16xi32>, vector<16xi32>], vector<16xf32>,
      %iota3A_906 = tpu.iota {dimensions = array<i32: 0>} : vector<16xi32>
      %add3A_907 = arith.constant 16 : i32
      %add3A_908 = vector.broadcast %add3A_907 : i32 to vector<16xi32>
      %add3A_909 = arith.addi %iota3A_906, %add3A_908 : vector<16xi32>
      %gather3A_910 = tpu.vector_load_idx %arg9[%add3A_909, %broadcast_in_dim3A_893] : memref<64x128xf32, #tpu.memory_space<vmem>>[vector<16xi32>, vector<16xi32>], vector<16xf32>,
      %iota3A_911 = tpu.iota {dimensions = array<i32: 0>} : vector<16xi32>
      %add3A_912 = arith.constant 16 : i32
      %add3A_913 = vector.broadcast %add3A_912 : i32 to vector<16xi32>
      %add3A_914 = arith.addi %iota3A_911, %add3A_913 : vector<16xi32>
      tpu.vector_store_idx %arg14[%add3A_914, %broadcast_in_dim3A_896], %gather3A_910 : memref<64x512xf32, #tpu.memory_space<vmem>>[vector<16xi32>, vector<16xi32>], vector<16xf32>,
      %iota3A_915 = tpu.iota {dimensions = array<i32: 0>} : vector<16xi32>
      %add3A_916 = arith.constant 32 : i32
      %add3A_917 = vector.broadcast %add3A_916 : i32 to vector<16xi32>
      %add3A_918 = arith.addi %iota3A_915, %add3A_917 : vector<16xi32>
      %gather3A_919 = tpu.vector_load_idx %arg9[%add3A_918, %broadcast_in_dim3A_893] : memref<64x128xf32, #tpu.memory_space<vmem>>[vector<16xi32>, vector<16xi32>], vector<16xf32>,
      %iota3A_920 = tpu.iota {dimensions = array<i32: 0>} : vector<16xi32>
      %add3A_921 = arith.constant 32 : i32
      %add3A_922 = vector.broadcast %add3A_921 : i32 to vector<16xi32>
      %add3A_923 = arith.addi %iota3A_920, %add3A_922 : vector<16xi32>
      tpu.vector_store_idx %arg14[%add3A_923, %broadcast_in_dim3A_896], %gather3A_919 : memref<64x512xf32, #tpu.memory_space<vmem>>[vector<16xi32>, vector<16xi32>], vector<16xf32>,
      %iota3A_924 = tpu.iota {dimensions = array<i32: 0>} : vector<16xi32>
      %add3A_925 = arith.constant 48 : i32
      %add3A_926 = vector.broadcast %add3A_925 : i32 to vector<16xi32>
      %add3A_927 = arith.addi %iota3A_924, %add3A_926 : vector<16xi32>
      %gather3A_928 = tpu.vector_load_idx %arg9[%add3A_927, %broadcast_in_dim3A_893] : memref<64x128xf32, #tpu.memory_space<vmem>>[vector<16xi32>, vector<16xi32>], vector<16xf32>,
      %iota3A_929 = tpu.iota {dimensions = array<i32: 0>} : vector<16xi32>
      %add3A_930 = arith.constant 48 : i32
      %add3A_931 = vector.broadcast %add3A_930 : i32 to vector<16xi32>
      %add3A_932 = arith.addi %iota3A_929, %add3A_931 : vector<16xi32>
      tpu.vector_store_idx %arg14[%add3A_932, %broadcast_in_dim3A_896], %gather3A_928 : memref<64x512xf32, #tpu.memory_space<vmem>>[vector<16xi32>, vector<16xi32>], vector<16xf32>,
      %add3A_933 = arith.constant 8 : i32
      %add3A_934 = arith.addi %mul3A_874, %add3A_933 : i32
      %get3A_935 = arith.index_cast %add3A_934 : i32 to index
      %get3A_936 = tpu.vector_load %arg5[%get3A_935] {strides = array<i32>} : memref<528xi32, #tpu.memory_space<vmem>>, vector<16xi32>,
      %slice3A_937 = vector.extract_strided_slice %get3A_936 {offsets = [0], sizes = [1], strides = [1]} : vector<16xi32> to vector<1xi32>
      %squeeze3A_938 = vector.extract %slice3A_937[0] : i32 from vector<1xi32>
      %shift_right_arithmetic3A_939 = arith.constant 7 : i32
      %shift_right_arithmetic3A_940 = arith.shrsi %squeeze3A_938, %shift_right_arithmetic3A_939 : i32
      %mul3A_941 = arith.constant 128 : i32
      %mul3A_942 = arith.muli %shift_right_arithmetic3A_940, %mul3A_941 : i32
      %multiple_of3A_943 = tpu.assume_multiple %mul3A_942, 128 : i32
      %dma_start3A_944 = arith.constant 0 : i32
      %dma_start3A_945 = arith.constant 0 : i32
      %dma_start3A_946 = tpu.memref_slice %arg9[%dma_start3A_944, %dma_start3A_945] : memref<64x128xf32, #tpu.memory_space<vmem>> -> memref<64x128xf32, #tpu.memory_space<vmem>>
      %dma_start3A_947 = arith.constant 0 : i32
      %dma_start3A_948 = tpu.memref_slice %arg2[%dma_start3A_947, %multiple_of3A_943] : memref<64x1000001xf32, #tpu.memory_space<hbm>> -> memref<64x128xf32, #tpu.memory_space<hbm>>
      %dma_start3A_949 = arith.constant 0 : i32
      %dma_start3A_950 = arith.constant 0 : i32
      %dma_start3A_951 = tpu.memref_slice %arg9[%dma_start3A_949, %dma_start3A_950] : memref<64x128xf32, #tpu.memory_space<vmem>> -> memref<64x128xf32, #tpu.memory_space<vmem>>
      %dma_start3A_952 = arith.constant 0 : i32
      %dma_start3A_953 = tpu.memref_slice %arg2[%dma_start3A_952, %multiple_of3A_943] : memref<64x1000001xf32, #tpu.memory_space<hbm>> -> memref<64x128xf32, #tpu.memory_space<hbm>>
      tpu.enqueue_dma source(%dma_start3A_953 : memref<64x128xf32, #tpu.memory_space<hbm>>) target(%dma_start3A_951 : memref<64x128xf32, #tpu.memory_space<vmem>>) target_semaphore(%arg19 : memref<!tpu.dma_semaphore, #tpu.memory_space<semaphore_mem>>)
      %add3A_954 = arith.constant 4 : i32
      %add3A_955 = arith.addi %mul3A_621, %add3A_954 : i32
      %mul3A_956 = arith.constant 1 : i32
      %mul3A_957 = arith.muli %add3A_955, %mul3A_956 : i32
      %dma_wait3A_958 = arith.constant 0 : i32
      %dma_wait3A_959 = arith.constant 0 : i32
      %dma_wait3A_960 = tpu.memref_slice %arg10[%dma_wait3A_958, %dma_wait3A_959] : memref<64x128xf32, #tpu.memory_space<vmem>> -> memref<64x128xf32, #tpu.memory_space<vmem>>
      %dma_wait3A_961 = arith.constant 0 : i32
      %dma_wait3A_962 = arith.constant 0 : i32
      %dma_wait3A_963 = tpu.memref_slice %arg2[%dma_wait3A_961, %dma_wait3A_962] : memref<64x1000001xf32, #tpu.memory_space<hbm>> -> memref<64x128xf32, #tpu.memory_space<hbm>>
      %dma_wait3A_964 = arith.constant 0 : i32
      %dma_wait3A_965 = arith.constant 0 : i32
      %dma_wait3A_966 = tpu.memref_slice %arg10[%dma_wait3A_964, %dma_wait3A_965] : memref<64x128xf32, #tpu.memory_space<vmem>> -> memref<64x128xf32, #tpu.memory_space<vmem>>
      %dma_wait3A_967 = arith.constant 0 : i32
      %dma_wait3A_968 = arith.constant 0 : i32
      %dma_wait3A_969 = tpu.memref_slice %arg2[%dma_wait3A_967, %dma_wait3A_968] : memref<64x1000001xf32, #tpu.memory_space<hbm>> -> memref<64x128xf32, #tpu.memory_space<hbm>>
      tpu.wait_dma2 semaphore(%arg20 : memref<!tpu.dma_semaphore, #tpu.memory_space<semaphore_mem>>) src(%dma_wait3A_969 : memref<64x128xf32, #tpu.memory_space<hbm>>) dst(%dma_wait3A_966 : memref<64x128xf32, #tpu.memory_space<vmem>>)
      %get3A_970 = arith.index_cast %mul3A_957 : i32 to index
      %get3A_971 = tpu.vector_load %arg5[%get3A_970] {strides = array<i32>} : memref<528xi32, #tpu.memory_space<vmem>>, vector<16xi32>,
      %slice3A_972 = vector.extract_strided_slice %get3A_971 {offsets = [0], sizes = [1], strides = [1]} : vector<16xi32> to vector<1xi32>
      %squeeze3A_973 = vector.extract %slice3A_972[0] : i32 from vector<1xi32>
      %and3A_974 = arith.constant 127 : i32
      %and3A_975 = arith.andi %squeeze3A_973, %and3A_974 : i32
      %broadcast_in_dim3A_976 = vector.broadcast %and3A_975 : i32 to vector<16xi32>
      %add3A_977 = arith.constant 0 : i32
      %add3A_978 = arith.addi %mul3A_957, %add3A_977 : i32
      %broadcast_in_dim3A_979 = vector.broadcast %add3A_978 : i32 to vector<16xi32>
      %iota3A_980 = tpu.iota {dimensions = array<i32: 0>} : vector<16xi32>
      %add3A_981 = arith.constant 0 : i32
      %add3A_982 = vector.broadcast %add3A_981 : i32 to vector<16xi32>
      %add3A_983 = arith.addi %iota3A_980, %add3A_982 : vector<16xi32>
      %gather3A_984 = tpu.vector_load_idx %arg10[%add3A_983, %broadcast_in_dim3A_976] : memref<64x128xf32, #tpu.memory_space<vmem>>[vector<16xi32>, vector<16xi32>], vector<16xf32>,
      %iota3A_985 = tpu.iota {dimensions = array<i32: 0>} : vector<16xi32>
      %add3A_986 = arith.constant 0 : i32
      %add3A_987 = vector.broadcast %add3A_986 : i32 to vector<16xi32>
      %add3A_988 = arith.addi %iota3A_985, %add3A_987 : vector<16xi32>
      tpu.vector_store_idx %arg14[%add3A_988, %broadcast_in_dim3A_979], %gather3A_984 : memref<64x512xf32, #tpu.memory_space<vmem>>[vector<16xi32>, vector<16xi32>], vector<16xf32>,
      %iota3A_989 = tpu.iota {dimensions = array<i32: 0>} : vector<16xi32>
      %add3A_990 = arith.constant 16 : i32
      %add3A_991 = vector.broadcast %add3A_990 : i32 to vector<16xi32>
      %add3A_992 = arith.addi %iota3A_989, %add3A_991 : vector<16xi32>
      %gather3A_993 = tpu.vector_load_idx %arg10[%add3A_992, %broadcast_in_dim3A_976] : memref<64x128xf32, #tpu.memory_space<vmem>>[vector<16xi32>, vector<16xi32>], vector<16xf32>,
      %iota3A_994 = tpu.iota {dimensions = array<i32: 0>} : vector<16xi32>
      %add3A_995 = arith.constant 16 : i32
      %add3A_996 = vector.broadcast %add3A_995 : i32 to vector<16xi32>
      %add3A_997 = arith.addi %iota3A_994, %add3A_996 : vector<16xi32>
      tpu.vector_store_idx %arg14[%add3A_997, %broadcast_in_dim3A_979], %gather3A_993 : memref<64x512xf32, #tpu.memory_space<vmem>>[vector<16xi32>, vector<16xi32>], vector<16xf32>,
      %iota3A_998 = tpu.iota {dimensions = array<i32: 0>} : vector<16xi32>
      %add3A_999 = arith.constant 32 : i32
      %add3A_1000 = vector.broadcast %add3A_999 : i32 to vector<16xi32>
      %add3A_1001 = arith.addi %iota3A_998, %add3A_1000 : vector<16xi32>
      %gather3A_1002 = tpu.vector_load_idx %arg10[%add3A_1001, %broadcast_in_dim3A_976] : memref<64x128xf32, #tpu.memory_space<vmem>>[vector<16xi32>, vector<16xi32>], vector<16xf32>,
      %iota3A_1003 = tpu.iota {dimensions = array<i32: 0>} : vector<16xi32>
      %add3A_1004 = arith.constant 32 : i32
      %add3A_1005 = vector.broadcast %add3A_1004 : i32 to vector<16xi32>
      %add3A_1006 = arith.addi %iota3A_1003, %add3A_1005 : vector<16xi32>
      tpu.vector_store_idx %arg14[%add3A_1006, %broadcast_in_dim3A_979], %gather3A_1002 : memref<64x512xf32, #tpu.memory_space<vmem>>[vector<16xi32>, vector<16xi32>], vector<16xf32>,
      %iota3A_1007 = tpu.iota {dimensions = array<i32: 0>} : vector<16xi32>
      %add3A_1008 = arith.constant 48 : i32
      %add3A_1009 = vector.broadcast %add3A_1008 : i32 to vector<16xi32>
      %add3A_1010 = arith.addi %iota3A_1007, %add3A_1009 : vector<16xi32>
      %gather3A_1011 = tpu.vector_load_idx %arg10[%add3A_1010, %broadcast_in_dim3A_976] : memref<64x128xf32, #tpu.memory_space<vmem>>[vector<16xi32>, vector<16xi32>], vector<16xf32>,
      %iota3A_1012 = tpu.iota {dimensions = array<i32: 0>} : vector<16xi32>
      %add3A_1013 = arith.constant 48 : i32
      %add3A_1014 = vector.broadcast %add3A_1013 : i32 to vector<16xi32>
      %add3A_1015 = arith.addi %iota3A_1012, %add3A_1014 : vector<16xi32>
      tpu.vector_store_idx %arg14[%add3A_1015, %broadcast_in_dim3A_979], %gather3A_1011 : memref<64x512xf32, #tpu.memory_space<vmem>>[vector<16xi32>, vector<16xi32>], vector<16xf32>,
      %add3A_1016 = arith.constant 8 : i32
      %add3A_1017 = arith.addi %mul3A_957, %add3A_1016 : i32
      %get3A_1018 = arith.index_cast %add3A_1017 : i32 to index
      %get3A_1019 = tpu.vector_load %arg5[%get3A_1018] {strides = array<i32>} : memref<528xi32, #tpu.memory_space<vmem>>, vector<16xi32>,
      %slice3A_1020 = vector.extract_strided_slice %get3A_1019 {offsets = [0], sizes = [1], strides = [1]} : vector<16xi32> to vector<1xi32>
      %squeeze3A_1021 = vector.extract %slice3A_1020[0] : i32 from vector<1xi32>
      %shift_right_arithmetic3A_1022 = arith.constant 7 : i32
      %shift_right_arithmetic3A_1023 = arith.shrsi %squeeze3A_1021, %shift_right_arithmetic3A_1022 : i32
      %mul3A_1024 = arith.constant 128 : i32
      %mul3A_1025 = arith.muli %shift_right_arithmetic3A_1023, %mul3A_1024 : i32
      %multiple_of3A_1026 = tpu.assume_multiple %mul3A_1025, 128 : i32
      %dma_start3A_1027 = arith.constant 0 : i32
      %dma_start3A_1028 = arith.constant 0 : i32
      %dma_start3A_1029 = tpu.memref_slice %arg10[%dma_start3A_1027, %dma_start3A_1028] : memref<64x128xf32, #tpu.memory_space<vmem>> -> memref<64x128xf32, #tpu.memory_space<vmem>>
      %dma_start3A_1030 = arith.constant 0 : i32
      %dma_start3A_1031 = tpu.memref_slice %arg2[%dma_start3A_1030, %multiple_of3A_1026] : memref<64x1000001xf32, #tpu.memory_space<hbm>> -> memref<64x128xf32, #tpu.memory_space<hbm>>
      %dma_start3A_1032 = arith.constant 0 : i32
      %dma_start3A_1033 = arith.constant 0 : i32
      %dma_start3A_1034 = tpu.memref_slice %arg10[%dma_start3A_1032, %dma_start3A_1033] : memref<64x128xf32, #tpu.memory_space<vmem>> -> memref<64x128xf32, #tpu.memory_space<vmem>>
      %dma_start3A_1035 = arith.constant 0 : i32
      %dma_start3A_1036 = tpu.memref_slice %arg2[%dma_start3A_1035, %multiple_of3A_1026] : memref<64x1000001xf32, #tpu.memory_space<hbm>> -> memref<64x128xf32, #tpu.memory_space<hbm>>
      tpu.enqueue_dma source(%dma_start3A_1036 : memref<64x128xf32, #tpu.memory_space<hbm>>) target(%dma_start3A_1034 : memref<64x128xf32, #tpu.memory_space<vmem>>) target_semaphore(%arg20 : memref<!tpu.dma_semaphore, #tpu.memory_space<semaphore_mem>>)
      %add3A_1037 = arith.constant 5 : i32
      %add3A_1038 = arith.addi %mul3A_621, %add3A_1037 : i32
      %mul3A_1039 = arith.constant 1 : i32
      %mul3A_1040 = arith.muli %add3A_1038, %mul3A_1039 : i32
      %dma_wait3A_1041 = arith.constant 0 : i32
      %dma_wait3A_1042 = arith.constant 0 : i32
      %dma_wait3A_1043 = tpu.memref_slice %arg11[%dma_wait3A_1041, %dma_wait3A_1042] : memref<64x128xf32, #tpu.memory_space<vmem>> -> memref<64x128xf32, #tpu.memory_space<vmem>>
      %dma_wait3A_1044 = arith.constant 0 : i32
      %dma_wait3A_1045 = arith.constant 0 : i32
      %dma_wait3A_1046 = tpu.memref_slice %arg2[%dma_wait3A_1044, %dma_wait3A_1045] : memref<64x1000001xf32, #tpu.memory_space<hbm>> -> memref<64x128xf32, #tpu.memory_space<hbm>>
      %dma_wait3A_1047 = arith.constant 0 : i32
      %dma_wait3A_1048 = arith.constant 0 : i32
      %dma_wait3A_1049 = tpu.memref_slice %arg11[%dma_wait3A_1047, %dma_wait3A_1048] : memref<64x128xf32, #tpu.memory_space<vmem>> -> memref<64x128xf32, #tpu.memory_space<vmem>>
      %dma_wait3A_1050 = arith.constant 0 : i32
      %dma_wait3A_1051 = arith.constant 0 : i32
      %dma_wait3A_1052 = tpu.memref_slice %arg2[%dma_wait3A_1050, %dma_wait3A_1051] : memref<64x1000001xf32, #tpu.memory_space<hbm>> -> memref<64x128xf32, #tpu.memory_space<hbm>>
      tpu.wait_dma2 semaphore(%arg21 : memref<!tpu.dma_semaphore, #tpu.memory_space<semaphore_mem>>) src(%dma_wait3A_1052 : memref<64x128xf32, #tpu.memory_space<hbm>>) dst(%dma_wait3A_1049 : memref<64x128xf32, #tpu.memory_space<vmem>>)
      %get3A_1053 = arith.index_cast %mul3A_1040 : i32 to index
      %get3A_1054 = tpu.vector_load %arg5[%get3A_1053] {strides = array<i32>} : memref<528xi32, #tpu.memory_space<vmem>>, vector<16xi32>,
      %slice3A_1055 = vector.extract_strided_slice %get3A_1054 {offsets = [0], sizes = [1], strides = [1]} : vector<16xi32> to vector<1xi32>
      %squeeze3A_1056 = vector.extract %slice3A_1055[0] : i32 from vector<1xi32>
      %and3A_1057 = arith.constant 127 : i32
      %and3A_1058 = arith.andi %squeeze3A_1056, %and3A_1057 : i32
      %broadcast_in_dim3A_1059 = vector.broadcast %and3A_1058 : i32 to vector<16xi32>
      %add3A_1060 = arith.constant 0 : i32
      %add3A_1061 = arith.addi %mul3A_1040, %add3A_1060 : i32
      %broadcast_in_dim3A_1062 = vector.broadcast %add3A_1061 : i32 to vector<16xi32>
      %iota3A_1063 = tpu.iota {dimensions = array<i32: 0>} : vector<16xi32>
      %add3A_1064 = arith.constant 0 : i32
      %add3A_1065 = vector.broadcast %add3A_1064 : i32 to vector<16xi32>
      %add3A_1066 = arith.addi %iota3A_1063, %add3A_1065 : vector<16xi32>
      %gather3A_1067 = tpu.vector_load_idx %arg11[%add3A_1066, %broadcast_in_dim3A_1059] : memref<64x128xf32, #tpu.memory_space<vmem>>[vector<16xi32>, vector<16xi32>], vector<16xf32>,
      %iota3A_1068 = tpu.iota {dimensions = array<i32: 0>} : vector<16xi32>
      %add3A_1069 = arith.constant 0 : i32
      %add3A_1070 = vector.broadcast %add3A_1069 : i32 to vector<16xi32>
      %add3A_1071 = arith.addi %iota3A_1068, %add3A_1070 : vector<16xi32>
      tpu.vector_store_idx %arg14[%add3A_1071, %broadcast_in_dim3A_1062], %gather3A_1067 : memref<64x512xf32, #tpu.memory_space<vmem>>[vector<16xi32>, vector<16xi32>], vector<16xf32>,
      %iota3A_1072 = tpu.iota {dimensions = array<i32: 0>} : vector<16xi32>
      %add3A_1073 = arith.constant 16 : i32
      %add3A_1074 = vector.broadcast %add3A_1073 : i32 to vector<16xi32>
      %add3A_1075 = arith.addi %iota3A_1072, %add3A_1074 : vector<16xi32>
      %gather3A_1076 = tpu.vector_load_idx %arg11[%add3A_1075, %broadcast_in_dim3A_1059] : memref<64x128xf32, #tpu.memory_space<vmem>>[vector<16xi32>, vector<16xi32>], vector<16xf32>,
      %iota3A_1077 = tpu.iota {dimensions = array<i32: 0>} : vector<16xi32>
      %add3A_1078 = arith.constant 16 : i32
      %add3A_1079 = vector.broadcast %add3A_1078 : i32 to vector<16xi32>
      %add3A_1080 = arith.addi %iota3A_1077, %add3A_1079 : vector<16xi32>
      tpu.vector_store_idx %arg14[%add3A_1080, %broadcast_in_dim3A_1062], %gather3A_1076 : memref<64x512xf32, #tpu.memory_space<vmem>>[vector<16xi32>, vector<16xi32>], vector<16xf32>,
      %iota3A_1081 = tpu.iota {dimensions = array<i32: 0>} : vector<16xi32>
      %add3A_1082 = arith.constant 32 : i32
      %add3A_1083 = vector.broadcast %add3A_1082 : i32 to vector<16xi32>
      %add3A_1084 = arith.addi %iota3A_1081, %add3A_1083 : vector<16xi32>
      %gather3A_1085 = tpu.vector_load_idx %arg11[%add3A_1084, %broadcast_in_dim3A_1059] : memref<64x128xf32, #tpu.memory_space<vmem>>[vector<16xi32>, vector<16xi32>], vector<16xf32>,
      %iota3A_1086 = tpu.iota {dimensions = array<i32: 0>} : vector<16xi32>
      %add3A_1087 = arith.constant 32 : i32
      %add3A_1088 = vector.broadcast %add3A_1087 : i32 to vector<16xi32>
      %add3A_1089 = arith.addi %iota3A_1086, %add3A_1088 : vector<16xi32>
      tpu.vector_store_idx %arg14[%add3A_1089, %broadcast_in_dim3A_1062], %gather3A_1085 : memref<64x512xf32, #tpu.memory_space<vmem>>[vector<16xi32>, vector<16xi32>], vector<16xf32>,
      %iota3A_1090 = tpu.iota {dimensions = array<i32: 0>} : vector<16xi32>
      %add3A_1091 = arith.constant 48 : i32
      %add3A_1092 = vector.broadcast %add3A_1091 : i32 to vector<16xi32>
      %add3A_1093 = arith.addi %iota3A_1090, %add3A_1092 : vector<16xi32>
      %gather3A_1094 = tpu.vector_load_idx %arg11[%add3A_1093, %broadcast_in_dim3A_1059] : memref<64x128xf32, #tpu.memory_space<vmem>>[vector<16xi32>, vector<16xi32>], vector<16xf32>,
      %iota3A_1095 = tpu.iota {dimensions = array<i32: 0>} : vector<16xi32>
      %add3A_1096 = arith.constant 48 : i32
      %add3A_1097 = vector.broadcast %add3A_1096 : i32 to vector<16xi32>
      %add3A_1098 = arith.addi %iota3A_1095, %add3A_1097 : vector<16xi32>
      tpu.vector_store_idx %arg14[%add3A_1098, %broadcast_in_dim3A_1062], %gather3A_1094 : memref<64x512xf32, #tpu.memory_space<vmem>>[vector<16xi32>, vector<16xi32>], vector<16xf32>,
      %add3A_1099 = arith.constant 8 : i32
      %add3A_1100 = arith.addi %mul3A_1040, %add3A_1099 : i32
      %get3A_1101 = arith.index_cast %add3A_1100 : i32 to index
      %get3A_1102 = tpu.vector_load %arg5[%get3A_1101] {strides = array<i32>} : memref<528xi32, #tpu.memory_space<vmem>>, vector<16xi32>,
      %slice3A_1103 = vector.extract_strided_slice %get3A_1102 {offsets = [0], sizes = [1], strides = [1]} : vector<16xi32> to vector<1xi32>
      %squeeze3A_1104 = vector.extract %slice3A_1103[0] : i32 from vector<1xi32>
      %shift_right_arithmetic3A_1105 = arith.constant 7 : i32
      %shift_right_arithmetic3A_1106 = arith.shrsi %squeeze3A_1104, %shift_right_arithmetic3A_1105 : i32
      %mul3A_1107 = arith.constant 128 : i32
      %mul3A_1108 = arith.muli %shift_right_arithmetic3A_1106, %mul3A_1107 : i32
      %multiple_of3A_1109 = tpu.assume_multiple %mul3A_1108, 128 : i32
      %dma_start3A_1110 = arith.constant 0 : i32
      %dma_start3A_1111 = arith.constant 0 : i32
      %dma_start3A_1112 = tpu.memref_slice %arg11[%dma_start3A_1110, %dma_start3A_1111] : memref<64x128xf32, #tpu.memory_space<vmem>> -> memref<64x128xf32, #tpu.memory_space<vmem>>
      %dma_start3A_1113 = arith.constant 0 : i32
      %dma_start3A_1114 = tpu.memref_slice %arg2[%dma_start3A_1113, %multiple_of3A_1109] : memref<64x1000001xf32, #tpu.memory_space<hbm>> -> memref<64x128xf32, #tpu.memory_space<hbm>>
      %dma_start3A_1115 = arith.constant 0 : i32
      %dma_start3A_1116 = arith.constant 0 : i32
      %dma_start3A_1117 = tpu.memref_slice %arg11[%dma_start3A_1115, %dma_start3A_1116] : memref<64x128xf32, #tpu.memory_space<vmem>> -> memref<64x128xf32, #tpu.memory_space<vmem>>
      %dma_start3A_1118 = arith.constant 0 : i32
      %dma_start3A_1119 = tpu.memref_slice %arg2[%dma_start3A_1118, %multiple_of3A_1109] : memref<64x1000001xf32, #tpu.memory_space<hbm>> -> memref<64x128xf32, #tpu.memory_space<hbm>>
      tpu.enqueue_dma source(%dma_start3A_1119 : memref<64x128xf32, #tpu.memory_space<hbm>>) target(%dma_start3A_1117 : memref<64x128xf32, #tpu.memory_space<vmem>>) target_semaphore(%arg21 : memref<!tpu.dma_semaphore, #tpu.memory_space<semaphore_mem>>)
      %add3A_1120 = arith.constant 6 : i32
      %add3A_1121 = arith.addi %mul3A_621, %add3A_1120 : i32
      %mul3A_1122 = arith.constant 1 : i32
      %mul3A_1123 = arith.muli %add3A_1121, %mul3A_1122 : i32
      %dma_wait3A_1124 = arith.constant 0 : i32
      %dma_wait3A_1125 = arith.constant 0 : i32
      %dma_wait3A_1126 = tpu.memref_slice %arg12[%dma_wait3A_1124, %dma_wait3A_1125] : memref<64x128xf32, #tpu.memory_space<vmem>> -> memref<64x128xf32, #tpu.memory_space<vmem>>
      %dma_wait3A_1127 = arith.constant 0 : i32
      %dma_wait3A_1128 = arith.constant 0 : i32
      %dma_wait3A_1129 = tpu.memref_slice %arg2[%dma_wait3A_1127, %dma_wait3A_1128] : memref<64x1000001xf32, #tpu.memory_space<hbm>> -> memref<64x128xf32, #tpu.memory_space<hbm>>
      %dma_wait3A_1130 = arith.constant 0 : i32
      %dma_wait3A_1131 = arith.constant 0 : i32
      %dma_wait3A_1132 = tpu.memref_slice %arg12[%dma_wait3A_1130, %dma_wait3A_1131] : memref<64x128xf32, #tpu.memory_space<vmem>> -> memref<64x128xf32, #tpu.memory_space<vmem>>
      %dma_wait3A_1133 = arith.constant 0 : i32
      %dma_wait3A_1134 = arith.constant 0 : i32
      %dma_wait3A_1135 = tpu.memref_slice %arg2[%dma_wait3A_1133, %dma_wait3A_1134] : memref<64x1000001xf32, #tpu.memory_space<hbm>> -> memref<64x128xf32, #tpu.memory_space<hbm>>
      tpu.wait_dma2 semaphore(%arg22 : memref<!tpu.dma_semaphore, #tpu.memory_space<semaphore_mem>>) src(%dma_wait3A_1135 : memref<64x128xf32, #tpu.memory_space<hbm>>) dst(%dma_wait3A_1132 : memref<64x128xf32, #tpu.memory_space<vmem>>)
      %get3A_1136 = arith.index_cast %mul3A_1123 : i32 to index
      %get3A_1137 = tpu.vector_load %arg5[%get3A_1136] {strides = array<i32>} : memref<528xi32, #tpu.memory_space<vmem>>, vector<16xi32>,
      %slice3A_1138 = vector.extract_strided_slice %get3A_1137 {offsets = [0], sizes = [1], strides = [1]} : vector<16xi32> to vector<1xi32>
      %squeeze3A_1139 = vector.extract %slice3A_1138[0] : i32 from vector<1xi32>
      %and3A_1140 = arith.constant 127 : i32
      %and3A_1141 = arith.andi %squeeze3A_1139, %and3A_1140 : i32
      %broadcast_in_dim3A_1142 = vector.broadcast %and3A_1141 : i32 to vector<16xi32>
      %add3A_1143 = arith.constant 0 : i32
      %add3A_1144 = arith.addi %mul3A_1123, %add3A_1143 : i32
      %broadcast_in_dim3A_1145 = vector.broadcast %add3A_1144 : i32 to vector<16xi32>
      %iota3A_1146 = tpu.iota {dimensions = array<i32: 0>} : vector<16xi32>
      %add3A_1147 = arith.constant 0 : i32
      %add3A_1148 = vector.broadcast %add3A_1147 : i32 to vector<16xi32>
      %add3A_1149 = arith.addi %iota3A_1146, %add3A_1148 : vector<16xi32>
      %gather3A_1150 = tpu.vector_load_idx %arg12[%add3A_1149, %broadcast_in_dim3A_1142] : memref<64x128xf32, #tpu.memory_space<vmem>>[vector<16xi32>, vector<16xi32>], vector<16xf32>,
      %iota3A_1151 = tpu.iota {dimensions = array<i32: 0>} : vector<16xi32>
      %add3A_1152 = arith.constant 0 : i32
      %add3A_1153 = vector.broadcast %add3A_1152 : i32 to vector<16xi32>
      %add3A_1154 = arith.addi %iota3A_1151, %add3A_1153 : vector<16xi32>
      tpu.vector_store_idx %arg14[%add3A_1154, %broadcast_in_dim3A_1145], %gather3A_1150 : memref<64x512xf32, #tpu.memory_space<vmem>>[vector<16xi32>, vector<16xi32>], vector<16xf32>,
      %iota3A_1155 = tpu.iota {dimensions = array<i32: 0>} : vector<16xi32>
      %add3A_1156 = arith.constant 16 : i32
      %add3A_1157 = vector.broadcast %add3A_1156 : i32 to vector<16xi32>
      %add3A_1158 = arith.addi %iota3A_1155, %add3A_1157 : vector<16xi32>
      %gather3A_1159 = tpu.vector_load_idx %arg12[%add3A_1158, %broadcast_in_dim3A_1142] : memref<64x128xf32, #tpu.memory_space<vmem>>[vector<16xi32>, vector<16xi32>], vector<16xf32>,
      %iota3A_1160 = tpu.iota {dimensions = array<i32: 0>} : vector<16xi32>
      %add3A_1161 = arith.constant 16 : i32
      %add3A_1162 = vector.broadcast %add3A_1161 : i32 to vector<16xi32>
      %add3A_1163 = arith.addi %iota3A_1160, %add3A_1162 : vector<16xi32>
      tpu.vector_store_idx %arg14[%add3A_1163, %broadcast_in_dim3A_1145], %gather3A_1159 : memref<64x512xf32, #tpu.memory_space<vmem>>[vector<16xi32>, vector<16xi32>], vector<16xf32>,
      %iota3A_1164 = tpu.iota {dimensions = array<i32: 0>} : vector<16xi32>
      %add3A_1165 = arith.constant 32 : i32
      %add3A_1166 = vector.broadcast %add3A_1165 : i32 to vector<16xi32>
      %add3A_1167 = arith.addi %iota3A_1164, %add3A_1166 : vector<16xi32>
      %gather3A_1168 = tpu.vector_load_idx %arg12[%add3A_1167, %broadcast_in_dim3A_1142] : memref<64x128xf32, #tpu.memory_space<vmem>>[vector<16xi32>, vector<16xi32>], vector<16xf32>,
      %iota3A_1169 = tpu.iota {dimensions = array<i32: 0>} : vector<16xi32>
      %add3A_1170 = arith.constant 32 : i32
      %add3A_1171 = vector.broadcast %add3A_1170 : i32 to vector<16xi32>
      %add3A_1172 = arith.addi %iota3A_1169, %add3A_1171 : vector<16xi32>
      tpu.vector_store_idx %arg14[%add3A_1172, %broadcast_in_dim3A_1145], %gather3A_1168 : memref<64x512xf32, #tpu.memory_space<vmem>>[vector<16xi32>, vector<16xi32>], vector<16xf32>,
      %iota3A_1173 = tpu.iota {dimensions = array<i32: 0>} : vector<16xi32>
      %add3A_1174 = arith.constant 48 : i32
      %add3A_1175 = vector.broadcast %add3A_1174 : i32 to vector<16xi32>
      %add3A_1176 = arith.addi %iota3A_1173, %add3A_1175 : vector<16xi32>
      %gather3A_1177 = tpu.vector_load_idx %arg12[%add3A_1176, %broadcast_in_dim3A_1142] : memref<64x128xf32, #tpu.memory_space<vmem>>[vector<16xi32>, vector<16xi32>], vector<16xf32>,
      %iota3A_1178 = tpu.iota {dimensions = array<i32: 0>} : vector<16xi32>
      %add3A_1179 = arith.constant 48 : i32
      %add3A_1180 = vector.broadcast %add3A_1179 : i32 to vector<16xi32>
      %add3A_1181 = arith.addi %iota3A_1178, %add3A_1180 : vector<16xi32>
      tpu.vector_store_idx %arg14[%add3A_1181, %broadcast_in_dim3A_1145], %gather3A_1177 : memref<64x512xf32, #tpu.memory_space<vmem>>[vector<16xi32>, vector<16xi32>], vector<16xf32>,
      %add3A_1182 = arith.constant 8 : i32
      %add3A_1183 = arith.addi %mul3A_1123, %add3A_1182 : i32
      %get3A_1184 = arith.index_cast %add3A_1183 : i32 to index
      %get3A_1185 = tpu.vector_load %arg5[%get3A_1184] {strides = array<i32>} : memref<528xi32, #tpu.memory_space<vmem>>, vector<16xi32>,
      %slice3A_1186 = vector.extract_strided_slice %get3A_1185 {offsets = [0], sizes = [1], strides = [1]} : vector<16xi32> to vector<1xi32>
      %squeeze3A_1187 = vector.extract %slice3A_1186[0] : i32 from vector<1xi32>
      %shift_right_arithmetic3A_1188 = arith.constant 7 : i32
      %shift_right_arithmetic3A_1189 = arith.shrsi %squeeze3A_1187, %shift_right_arithmetic3A_1188 : i32
      %mul3A_1190 = arith.constant 128 : i32
      %mul3A_1191 = arith.muli %shift_right_arithmetic3A_1189, %mul3A_1190 : i32
      %multiple_of3A_1192 = tpu.assume_multiple %mul3A_1191, 128 : i32
      %dma_start3A_1193 = arith.constant 0 : i32
      %dma_start3A_1194 = arith.constant 0 : i32
      %dma_start3A_1195 = tpu.memref_slice %arg12[%dma_start3A_1193, %dma_start3A_1194] : memref<64x128xf32, #tpu.memory_space<vmem>> -> memref<64x128xf32, #tpu.memory_space<vmem>>
      %dma_start3A_1196 = arith.constant 0 : i32
      %dma_start3A_1197 = tpu.memref_slice %arg2[%dma_start3A_1196, %multiple_of3A_1192] : memref<64x1000001xf32, #tpu.memory_space<hbm>> -> memref<64x128xf32, #tpu.memory_space<hbm>>
      %dma_start3A_1198 = arith.constant 0 : i32
      %dma_start3A_1199 = arith.constant 0 : i32
      %dma_start3A_1200 = tpu.memref_slice %arg12[%dma_start3A_1198, %dma_start3A_1199] : memref<64x128xf32, #tpu.memory_space<vmem>> -> memref<64x128xf32, #tpu.memory_space<vmem>>
      %dma_start3A_1201 = arith.constant 0 : i32
      %dma_start3A_1202 = tpu.memref_slice %arg2[%dma_start3A_1201, %multiple_of3A_1192] : memref<64x1000001xf32, #tpu.memory_space<hbm>> -> memref<64x128xf32, #tpu.memory_space<hbm>>
      tpu.enqueue_dma source(%dma_start3A_1202 : memref<64x128xf32, #tpu.memory_space<hbm>>) target(%dma_start3A_1200 : memref<64x128xf32, #tpu.memory_space<vmem>>) target_semaphore(%arg22 : memref<!tpu.dma_semaphore, #tpu.memory_space<semaphore_mem>>)
      %add3A_1203 = arith.constant 7 : i32
      %add3A_1204 = arith.addi %mul3A_621, %add3A_1203 : i32
      %mul3A_1205 = arith.constant 1 : i32
      %mul3A_1206 = arith.muli %add3A_1204, %mul3A_1205 : i32
      %dma_wait3A_1207 = arith.constant 0 : i32
      %dma_wait3A_1208 = arith.constant 0 : i32
      %dma_wait3A_1209 = tpu.memref_slice %arg13[%dma_wait3A_1207, %dma_wait3A_1208] : memref<64x128xf32, #tpu.memory_space<vmem>> -> memref<64x128xf32, #tpu.memory_space<vmem>>
      %dma_wait3A_1210 = arith.constant 0 : i32
      %dma_wait3A_1211 = arith.constant 0 : i32
      %dma_wait3A_1212 = tpu.memref_slice %arg2[%dma_wait3A_1210, %dma_wait3A_1211] : memref<64x1000001xf32, #tpu.memory_space<hbm>> -> memref<64x128xf32, #tpu.memory_space<hbm>>
      %dma_wait3A_1213 = arith.constant 0 : i32
      %dma_wait3A_1214 = arith.constant 0 : i32
      %dma_wait3A_1215 = tpu.memref_slice %arg13[%dma_wait3A_1213, %dma_wait3A_1214] : memref<64x128xf32, #tpu.memory_space<vmem>> -> memref<64x128xf32, #tpu.memory_space<vmem>>
      %dma_wait3A_1216 = arith.constant 0 : i32
      %dma_wait3A_1217 = arith.constant 0 : i32
      %dma_wait3A_1218 = tpu.memref_slice %arg2[%dma_wait3A_1216, %dma_wait3A_1217] : memref<64x1000001xf32, #tpu.memory_space<hbm>> -> memref<64x128xf32, #tpu.memory_space<hbm>>
      tpu.wait_dma2 semaphore(%arg23 : memref<!tpu.dma_semaphore, #tpu.memory_space<semaphore_mem>>) src(%dma_wait3A_1218 : memref<64x128xf32, #tpu.memory_space<hbm>>) dst(%dma_wait3A_1215 : memref<64x128xf32, #tpu.memory_space<vmem>>)
      %get3A_1219 = arith.index_cast %mul3A_1206 : i32 to index
      %get3A_1220 = tpu.vector_load %arg5[%get3A_1219] {strides = array<i32>} : memref<528xi32, #tpu.memory_space<vmem>>, vector<16xi32>,
      %slice3A_1221 = vector.extract_strided_slice %get3A_1220 {offsets = [0], sizes = [1], strides = [1]} : vector<16xi32> to vector<1xi32>
      %squeeze3A_1222 = vector.extract %slice3A_1221[0] : i32 from vector<1xi32>
      %and3A_1223 = arith.constant 127 : i32
      %and3A_1224 = arith.andi %squeeze3A_1222, %and3A_1223 : i32
      %broadcast_in_dim3A_1225 = vector.broadcast %and3A_1224 : i32 to vector<16xi32>
      %add3A_1226 = arith.constant 0 : i32
      %add3A_1227 = arith.addi %mul3A_1206, %add3A_1226 : i32
      %broadcast_in_dim3A_1228 = vector.broadcast %add3A_1227 : i32 to vector<16xi32>
      %iota3A_1229 = tpu.iota {dimensions = array<i32: 0>} : vector<16xi32>
      %add3A_1230 = arith.constant 0 : i32
      %add3A_1231 = vector.broadcast %add3A_1230 : i32 to vector<16xi32>
      %add3A_1232 = arith.addi %iota3A_1229, %add3A_1231 : vector<16xi32>
      %gather3A_1233 = tpu.vector_load_idx %arg13[%add3A_1232, %broadcast_in_dim3A_1225] : memref<64x128xf32, #tpu.memory_space<vmem>>[vector<16xi32>, vector<16xi32>], vector<16xf32>,
      %iota3A_1234 = tpu.iota {dimensions = array<i32: 0>} : vector<16xi32>
      %add3A_1235 = arith.constant 0 : i32
      %add3A_1236 = vector.broadcast %add3A_1235 : i32 to vector<16xi32>
      %add3A_1237 = arith.addi %iota3A_1234, %add3A_1236 : vector<16xi32>
      tpu.vector_store_idx %arg14[%add3A_1237, %broadcast_in_dim3A_1228], %gather3A_1233 : memref<64x512xf32, #tpu.memory_space<vmem>>[vector<16xi32>, vector<16xi32>], vector<16xf32>,
      %iota3A_1238 = tpu.iota {dimensions = array<i32: 0>} : vector<16xi32>
      %add3A_1239 = arith.constant 16 : i32
      %add3A_1240 = vector.broadcast %add3A_1239 : i32 to vector<16xi32>
      %add3A_1241 = arith.addi %iota3A_1238, %add3A_1240 : vector<16xi32>
      %gather3A_1242 = tpu.vector_load_idx %arg13[%add3A_1241, %broadcast_in_dim3A_1225] : memref<64x128xf32, #tpu.memory_space<vmem>>[vector<16xi32>, vector<16xi32>], vector<16xf32>,
      %iota3A_1243 = tpu.iota {dimensions = array<i32: 0>} : vector<16xi32>
      %add3A_1244 = arith.constant 16 : i32
      %add3A_1245 = vector.broadcast %add3A_1244 : i32 to vector<16xi32>
      %add3A_1246 = arith.addi %iota3A_1243, %add3A_1245 : vector<16xi32>
      tpu.vector_store_idx %arg14[%add3A_1246, %broadcast_in_dim3A_1228], %gather3A_1242 : memref<64x512xf32, #tpu.memory_space<vmem>>[vector<16xi32>, vector<16xi32>], vector<16xf32>,
      %iota3A_1247 = tpu.iota {dimensions = array<i32: 0>} : vector<16xi32>
      %add3A_1248 = arith.constant 32 : i32
      %add3A_1249 = vector.broadcast %add3A_1248 : i32 to vector<16xi32>
      %add3A_1250 = arith.addi %iota3A_1247, %add3A_1249 : vector<16xi32>
      %gather3A_1251 = tpu.vector_load_idx %arg13[%add3A_1250, %broadcast_in_dim3A_1225] : memref<64x128xf32, #tpu.memory_space<vmem>>[vector<16xi32>, vector<16xi32>], vector<16xf32>,
      %iota3A_1252 = tpu.iota {dimensions = array<i32: 0>} : vector<16xi32>
      %add3A_1253 = arith.constant 32 : i32
      %add3A_1254 = vector.broadcast %add3A_1253 : i32 to vector<16xi32>
      %add3A_1255 = arith.addi %iota3A_1252, %add3A_1254 : vector<16xi32>
      tpu.vector_store_idx %arg14[%add3A_1255, %broadcast_in_dim3A_1228], %gather3A_1251 : memref<64x512xf32, #tpu.memory_space<vmem>>[vector<16xi32>, vector<16xi32>], vector<16xf32>,
      %iota3A_1256 = tpu.iota {dimensions = array<i32: 0>} : vector<16xi32>
      %add3A_1257 = arith.constant 48 : i32
      %add3A_1258 = vector.broadcast %add3A_1257 : i32 to vector<16xi32>
      %add3A_1259 = arith.addi %iota3A_1256, %add3A_1258 : vector<16xi32>
      %gather3A_1260 = tpu.vector_load_idx %arg13[%add3A_1259, %broadcast_in_dim3A_1225] : memref<64x128xf32, #tpu.memory_space<vmem>>[vector<16xi32>, vector<16xi32>], vector<16xf32>,
      %iota3A_1261 = tpu.iota {dimensions = array<i32: 0>} : vector<16xi32>
      %add3A_1262 = arith.constant 48 : i32
      %add3A_1263 = vector.broadcast %add3A_1262 : i32 to vector<16xi32>
      %add3A_1264 = arith.addi %iota3A_1261, %add3A_1263 : vector<16xi32>
      tpu.vector_store_idx %arg14[%add3A_1264, %broadcast_in_dim3A_1228], %gather3A_1260 : memref<64x512xf32, #tpu.memory_space<vmem>>[vector<16xi32>, vector<16xi32>], vector<16xf32>,
      %add3A_1265 = arith.constant 8 : i32
      %add3A_1266 = arith.addi %mul3A_1206, %add3A_1265 : i32
      %get3A_1267 = arith.index_cast %add3A_1266 : i32 to index
      %get3A_1268 = tpu.vector_load %arg5[%get3A_1267] {strides = array<i32>} : memref<528xi32, #tpu.memory_space<vmem>>, vector<16xi32>,
      %slice3A_1269 = vector.extract_strided_slice %get3A_1268 {offsets = [0], sizes = [1], strides = [1]} : vector<16xi32> to vector<1xi32>
      %squeeze3A_1270 = vector.extract %slice3A_1269[0] : i32 from vector<1xi32>
      %shift_right_arithmetic3A_1271 = arith.constant 7 : i32
      %shift_right_arithmetic3A_1272 = arith.shrsi %squeeze3A_1270, %shift_right_arithmetic3A_1271 : i32
      %mul3A_1273 = arith.constant 128 : i32
      %mul3A_1274 = arith.muli %shift_right_arithmetic3A_1272, %mul3A_1273 : i32
      %multiple_of3A_1275 = tpu.assume_multiple %mul3A_1274, 128 : i32
      %dma_start3A_1276 = arith.constant 0 : i32
      %dma_start3A_1277 = arith.constant 0 : i32
      %dma_start3A_1278 = tpu.memref_slice %arg13[%dma_start3A_1276, %dma_start3A_1277] : memref<64x128xf32, #tpu.memory_space<vmem>> -> memref<64x128xf32, #tpu.memory_space<vmem>>
      %dma_start3A_1279 = arith.constant 0 : i32
      %dma_start3A_1280 = tpu.memref_slice %arg2[%dma_start3A_1279, %multiple_of3A_1275] : memref<64x1000001xf32, #tpu.memory_space<hbm>> -> memref<64x128xf32, #tpu.memory_space<hbm>>
      %dma_start3A_1281 = arith.constant 0 : i32
      %dma_start3A_1282 = arith.constant 0 : i32
      %dma_start3A_1283 = tpu.memref_slice %arg13[%dma_start3A_1281, %dma_start3A_1282] : memref<64x128xf32, #tpu.memory_space<vmem>> -> memref<64x128xf32, #tpu.memory_space<vmem>>
      %dma_start3A_1284 = arith.constant 0 : i32
      %dma_start3A_1285 = tpu.memref_slice %arg2[%dma_start3A_1284, %multiple_of3A_1275] : memref<64x1000001xf32, #tpu.memory_space<hbm>> -> memref<64x128xf32, #tpu.memory_space<hbm>>
      tpu.enqueue_dma source(%dma_start3A_1285 : memref<64x128xf32, #tpu.memory_space<hbm>>) target(%dma_start3A_1283 : memref<64x128xf32, #tpu.memory_space<vmem>>) target_semaphore(%arg23 : memref<!tpu.dma_semaphore, #tpu.memory_space<semaphore_mem>>)
    }
    %scan3A_165 = arith.constant 63 : i32
    %dma_wait3A_166 = arith.constant 0 : i32
    %dma_wait3A_167 = arith.constant 0 : i32
    %dma_wait3A_168 = tpu.memref_slice %arg6[%dma_wait3A_166, %dma_wait3A_167] : memref<64x128xf32, #tpu.memory_space<vmem>> -> memref<64x128xf32, #tpu.memory_space<vmem>>
    %dma_wait3A_169 = arith.constant 0 : i32
    %dma_wait3A_170 = arith.constant 0 : i32
    %dma_wait3A_171 = tpu.memref_slice %arg2[%dma_wait3A_169, %dma_wait3A_170] : memref<64x1000001xf32, #tpu.memory_space<hbm>> -> memref<64x128xf32, #tpu.memory_space<hbm>>
    %dma_wait3A_172 = arith.constant 0 : i32
    %dma_wait3A_173 = arith.constant 0 : i32
    %dma_wait3A_174 = tpu.memref_slice %arg6[%dma_wait3A_172, %dma_wait3A_173] : memref<64x128xf32, #tpu.memory_space<vmem>> -> memref<64x128xf32, #tpu.memory_space<vmem>>
    %dma_wait3A_175 = arith.constant 0 : i32
    %dma_wait3A_176 = arith.constant 0 : i32
    %dma_wait3A_177 = tpu.memref_slice %arg2[%dma_wait3A_175, %dma_wait3A_176] : memref<64x1000001xf32, #tpu.memory_space<hbm>> -> memref<64x128xf32, #tpu.memory_space<hbm>>
    tpu.wait_dma2 semaphore(%arg16 : memref<!tpu.dma_semaphore, #tpu.memory_space<semaphore_mem>>) src(%dma_wait3A_177 : memref<64x128xf32, #tpu.memory_space<hbm>>) dst(%dma_wait3A_174 : memref<64x128xf32, #tpu.memory_space<vmem>>)
    %get3A_178 = arith.constant 504 : index
    %get3A_179 = tpu.vector_load %arg5[%get3A_178] {strides = array<i32>} : memref<528xi32, #tpu.memory_space<vmem>>, vector<16xi32>,
    %slice3A_180 = vector.extract_strided_slice %get3A_179 {offsets = [0], sizes = [1], strides = [1]} : vector<16xi32> to vector<1xi32>
    %squeeze3A_181 = vector.extract %slice3A_180[0] : i32 from vector<1xi32>
    %and3A = arith.constant 127 : i32
    %and3A_182 = arith.andi %squeeze3A_181, %and3A : i32
    %broadcast_in_dim3A_183 = vector.broadcast %and3A_182 : i32 to vector<16xi32>
    %broadcast_in_dim3A_184 = arith.constant 504 : i32
    %broadcast_in_dim3A_185 = vector.broadcast %broadcast_in_dim3A_184 : i32 to vector<16xi32>
    %iota3A = tpu.iota {dimensions = array<i32: 0>} : vector<16xi32>
    %add3A_186 = arith.constant 0 : i32
    %add3A_187 = vector.broadcast %add3A_186 : i32 to vector<16xi32>
    %add3A_188 = arith.addi %iota3A, %add3A_187 : vector<16xi32>
    %gather3A = tpu.vector_load_idx %arg6[%add3A_188, %broadcast_in_dim3A_183] : memref<64x128xf32, #tpu.memory_space<vmem>>[vector<16xi32>, vector<16xi32>], vector<16xf32>,
    %iota3A_189 = tpu.iota {dimensions = array<i32: 0>} : vector<16xi32>
    %add3A_190 = arith.constant 0 : i32
    %add3A_191 = vector.broadcast %add3A_190 : i32 to vector<16xi32>
    %add3A_192 = arith.addi %iota3A_189, %add3A_191 : vector<16xi32>
    tpu.vector_store_idx %arg14[%add3A_192, %broadcast_in_dim3A_185], %gather3A : memref<64x512xf32, #tpu.memory_space<vmem>>[vector<16xi32>, vector<16xi32>], vector<16xf32>,
    %iota3A_193 = tpu.iota {dimensions = array<i32: 0>} : vector<16xi32>
    %add3A_194 = arith.constant 16 : i32
    %add3A_195 = vector.broadcast %add3A_194 : i32 to vector<16xi32>
    %add3A_196 = arith.addi %iota3A_193, %add3A_195 : vector<16xi32>
    %gather3A_197 = tpu.vector_load_idx %arg6[%add3A_196, %broadcast_in_dim3A_183] : memref<64x128xf32, #tpu.memory_space<vmem>>[vector<16xi32>, vector<16xi32>], vector<16xf32>,
    %iota3A_198 = tpu.iota {dimensions = array<i32: 0>} : vector<16xi32>
    %add3A_199 = arith.constant 16 : i32
    %add3A_200 = vector.broadcast %add3A_199 : i32 to vector<16xi32>
    %add3A_201 = arith.addi %iota3A_198, %add3A_200 : vector<16xi32>
    tpu.vector_store_idx %arg14[%add3A_201, %broadcast_in_dim3A_185], %gather3A_197 : memref<64x512xf32, #tpu.memory_space<vmem>>[vector<16xi32>, vector<16xi32>], vector<16xf32>,
    %iota3A_202 = tpu.iota {dimensions = array<i32: 0>} : vector<16xi32>
    %add3A_203 = arith.constant 32 : i32
    %add3A_204 = vector.broadcast %add3A_203 : i32 to vector<16xi32>
    %add3A_205 = arith.addi %iota3A_202, %add3A_204 : vector<16xi32>
    %gather3A_206 = tpu.vector_load_idx %arg6[%add3A_205, %broadcast_in_dim3A_183] : memref<64x128xf32, #tpu.memory_space<vmem>>[vector<16xi32>, vector<16xi32>], vector<16xf32>,
    %iota3A_207 = tpu.iota {dimensions = array<i32: 0>} : vector<16xi32>
    %add3A_208 = arith.constant 32 : i32
    %add3A_209 = vector.broadcast %add3A_208 : i32 to vector<16xi32>
    %add3A_210 = arith.addi %iota3A_207, %add3A_209 : vector<16xi32>
    tpu.vector_store_idx %arg14[%add3A_210, %broadcast_in_dim3A_185], %gather3A_206 : memref<64x512xf32, #tpu.memory_space<vmem>>[vector<16xi32>, vector<16xi32>], vector<16xf32>,
    %iota3A_211 = tpu.iota {dimensions = array<i32: 0>} : vector<16xi32>
    %add3A_212 = arith.constant 48 : i32
    %add3A_213 = vector.broadcast %add3A_212 : i32 to vector<16xi32>
    %add3A_214 = arith.addi %iota3A_211, %add3A_213 : vector<16xi32>
    %gather3A_215 = tpu.vector_load_idx %arg6[%add3A_214, %broadcast_in_dim3A_183] : memref<64x128xf32, #tpu.memory_space<vmem>>[vector<16xi32>, vector<16xi32>], vector<16xf32>,
    %iota3A_216 = tpu.iota {dimensions = array<i32: 0>} : vector<16xi32>
    %add3A_217 = arith.constant 48 : i32
    %add3A_218 = vector.broadcast %add3A_217 : i32 to vector<16xi32>
    %add3A_219 = arith.addi %iota3A_216, %add3A_218 : vector<16xi32>
    tpu.vector_store_idx %arg14[%add3A_219, %broadcast_in_dim3A_185], %gather3A_215 : memref<64x512xf32, #tpu.memory_space<vmem>>[vector<16xi32>, vector<16xi32>], vector<16xf32>,
    %dma_wait3A_220 = arith.constant 0 : i32
    %dma_wait3A_221 = arith.constant 0 : i32
    %dma_wait3A_222 = tpu.memref_slice %arg7[%dma_wait3A_220, %dma_wait3A_221] : memref<64x128xf32, #tpu.memory_space<vmem>> -> memref<64x128xf32, #tpu.memory_space<vmem>>
    %dma_wait3A_223 = arith.constant 0 : i32
    %dma_wait3A_224 = arith.constant 0 : i32
    %dma_wait3A_225 = tpu.memref_slice %arg2[%dma_wait3A_223, %dma_wait3A_224] : memref<64x1000001xf32, #tpu.memory_space<hbm>> -> memref<64x128xf32, #tpu.memory_space<hbm>>
    %dma_wait3A_226 = arith.constant 0 : i32
    %dma_wait3A_227 = arith.constant 0 : i32
    %dma_wait3A_228 = tpu.memref_slice %arg7[%dma_wait3A_226, %dma_wait3A_227] : memref<64x128xf32, #tpu.memory_space<vmem>> -> memref<64x128xf32, #tpu.memory_space<vmem>>
    %dma_wait3A_229 = arith.constant 0 : i32
    %dma_wait3A_230 = arith.constant 0 : i32
    %dma_wait3A_231 = tpu.memref_slice %arg2[%dma_wait3A_229, %dma_wait3A_230] : memref<64x1000001xf32, #tpu.memory_space<hbm>> -> memref<64x128xf32, #tpu.memory_space<hbm>>
    tpu.wait_dma2 semaphore(%arg17 : memref<!tpu.dma_semaphore, #tpu.memory_space<semaphore_mem>>) src(%dma_wait3A_231 : memref<64x128xf32, #tpu.memory_space<hbm>>) dst(%dma_wait3A_228 : memref<64x128xf32, #tpu.memory_space<vmem>>)
    %get3A_232 = arith.constant 505 : index
    %get3A_233 = tpu.vector_load %arg5[%get3A_232] {strides = array<i32>} : memref<528xi32, #tpu.memory_space<vmem>>, vector<16xi32>,
    %slice3A_234 = vector.extract_strided_slice %get3A_233 {offsets = [0], sizes = [1], strides = [1]} : vector<16xi32> to vector<1xi32>
    %squeeze3A_235 = vector.extract %slice3A_234[0] : i32 from vector<1xi32>
    %and3A_236 = arith.constant 127 : i32
    %and3A_237 = arith.andi %squeeze3A_235, %and3A_236 : i32
    %broadcast_in_dim3A_238 = vector.broadcast %and3A_237 : i32 to vector<16xi32>
    %broadcast_in_dim3A_239 = arith.constant 505 : i32
    %broadcast_in_dim3A_240 = vector.broadcast %broadcast_in_dim3A_239 : i32 to vector<16xi32>
    %iota3A_241 = tpu.iota {dimensions = array<i32: 0>} : vector<16xi32>
    %add3A_242 = arith.constant 0 : i32
    %add3A_243 = vector.broadcast %add3A_242 : i32 to vector<16xi32>
    %add3A_244 = arith.addi %iota3A_241, %add3A_243 : vector<16xi32>
    %gather3A_245 = tpu.vector_load_idx %arg7[%add3A_244, %broadcast_in_dim3A_238] : memref<64x128xf32, #tpu.memory_space<vmem>>[vector<16xi32>, vector<16xi32>], vector<16xf32>,
    %iota3A_246 = tpu.iota {dimensions = array<i32: 0>} : vector<16xi32>
    %add3A_247 = arith.constant 0 : i32
    %add3A_248 = vector.broadcast %add3A_247 : i32 to vector<16xi32>
    %add3A_249 = arith.addi %iota3A_246, %add3A_248 : vector<16xi32>
    tpu.vector_store_idx %arg14[%add3A_249, %broadcast_in_dim3A_240], %gather3A_245 : memref<64x512xf32, #tpu.memory_space<vmem>>[vector<16xi32>, vector<16xi32>], vector<16xf32>,
    %iota3A_250 = tpu.iota {dimensions = array<i32: 0>} : vector<16xi32>
    %add3A_251 = arith.constant 16 : i32
    %add3A_252 = vector.broadcast %add3A_251 : i32 to vector<16xi32>
    %add3A_253 = arith.addi %iota3A_250, %add3A_252 : vector<16xi32>
    %gather3A_254 = tpu.vector_load_idx %arg7[%add3A_253, %broadcast_in_dim3A_238] : memref<64x128xf32, #tpu.memory_space<vmem>>[vector<16xi32>, vector<16xi32>], vector<16xf32>,
    %iota3A_255 = tpu.iota {dimensions = array<i32: 0>} : vector<16xi32>
    %add3A_256 = arith.constant 16 : i32
    %add3A_257 = vector.broadcast %add3A_256 : i32 to vector<16xi32>
    %add3A_258 = arith.addi %iota3A_255, %add3A_257 : vector<16xi32>
    tpu.vector_store_idx %arg14[%add3A_258, %broadcast_in_dim3A_240], %gather3A_254 : memref<64x512xf32, #tpu.memory_space<vmem>>[vector<16xi32>, vector<16xi32>], vector<16xf32>,
    %iota3A_259 = tpu.iota {dimensions = array<i32: 0>} : vector<16xi32>
    %add3A_260 = arith.constant 32 : i32
    %add3A_261 = vector.broadcast %add3A_260 : i32 to vector<16xi32>
    %add3A_262 = arith.addi %iota3A_259, %add3A_261 : vector<16xi32>
    %gather3A_263 = tpu.vector_load_idx %arg7[%add3A_262, %broadcast_in_dim3A_238] : memref<64x128xf32, #tpu.memory_space<vmem>>[vector<16xi32>, vector<16xi32>], vector<16xf32>,
    %iota3A_264 = tpu.iota {dimensions = array<i32: 0>} : vector<16xi32>
    %add3A_265 = arith.constant 32 : i32
    %add3A_266 = vector.broadcast %add3A_265 : i32 to vector<16xi32>
    %add3A_267 = arith.addi %iota3A_264, %add3A_266 : vector<16xi32>
    tpu.vector_store_idx %arg14[%add3A_267, %broadcast_in_dim3A_240], %gather3A_263 : memref<64x512xf32, #tpu.memory_space<vmem>>[vector<16xi32>, vector<16xi32>], vector<16xf32>,
    %iota3A_268 = tpu.iota {dimensions = array<i32: 0>} : vector<16xi32>
    %add3A_269 = arith.constant 48 : i32
    %add3A_270 = vector.broadcast %add3A_269 : i32 to vector<16xi32>
    %add3A_271 = arith.addi %iota3A_268, %add3A_270 : vector<16xi32>
    %gather3A_272 = tpu.vector_load_idx %arg7[%add3A_271, %broadcast_in_dim3A_238] : memref<64x128xf32, #tpu.memory_space<vmem>>[vector<16xi32>, vector<16xi32>], vector<16xf32>,
    %iota3A_273 = tpu.iota {dimensions = array<i32: 0>} : vector<16xi32>
    %add3A_274 = arith.constant 48 : i32
    %add3A_275 = vector.broadcast %add3A_274 : i32 to vector<16xi32>
    %add3A_276 = arith.addi %iota3A_273, %add3A_275 : vector<16xi32>
    tpu.vector_store_idx %arg14[%add3A_276, %broadcast_in_dim3A_240], %gather3A_272 : memref<64x512xf32, #tpu.memory_space<vmem>>[vector<16xi32>, vector<16xi32>], vector<16xf32>,
    %dma_wait3A_277 = arith.constant 0 : i32
    %dma_wait3A_278 = arith.constant 0 : i32
    %dma_wait3A_279 = tpu.memref_slice %arg8[%dma_wait3A_277, %dma_wait3A_278] : memref<64x128xf32, #tpu.memory_space<vmem>> -> memref<64x128xf32, #tpu.memory_space<vmem>>
    %dma_wait3A_280 = arith.constant 0 : i32
    %dma_wait3A_281 = arith.constant 0 : i32
    %dma_wait3A_282 = tpu.memref_slice %arg2[%dma_wait3A_280, %dma_wait3A_281] : memref<64x1000001xf32, #tpu.memory_space<hbm>> -> memref<64x128xf32, #tpu.memory_space<hbm>>
    %dma_wait3A_283 = arith.constant 0 : i32
    %dma_wait3A_284 = arith.constant 0 : i32
    %dma_wait3A_285 = tpu.memref_slice %arg8[%dma_wait3A_283, %dma_wait3A_284] : memref<64x128xf32, #tpu.memory_space<vmem>> -> memref<64x128xf32, #tpu.memory_space<vmem>>
    %dma_wait3A_286 = arith.constant 0 : i32
    %dma_wait3A_287 = arith.constant 0 : i32
    %dma_wait3A_288 = tpu.memref_slice %arg2[%dma_wait3A_286, %dma_wait3A_287] : memref<64x1000001xf32, #tpu.memory_space<hbm>> -> memref<64x128xf32, #tpu.memory_space<hbm>>
    tpu.wait_dma2 semaphore(%arg18 : memref<!tpu.dma_semaphore, #tpu.memory_space<semaphore_mem>>) src(%dma_wait3A_288 : memref<64x128xf32, #tpu.memory_space<hbm>>) dst(%dma_wait3A_285 : memref<64x128xf32, #tpu.memory_space<vmem>>)
    %get3A_289 = arith.constant 506 : index
    %get3A_290 = tpu.vector_load %arg5[%get3A_289] {strides = array<i32>} : memref<528xi32, #tpu.memory_space<vmem>>, vector<16xi32>,
    %slice3A_291 = vector.extract_strided_slice %get3A_290 {offsets = [0], sizes = [1], strides = [1]} : vector<16xi32> to vector<1xi32>
    %squeeze3A_292 = vector.extract %slice3A_291[0] : i32 from vector<1xi32>
    %and3A_293 = arith.constant 127 : i32
    %and3A_294 = arith.andi %squeeze3A_292, %and3A_293 : i32
    %broadcast_in_dim3A_295 = vector.broadcast %and3A_294 : i32 to vector<16xi32>
    %broadcast_in_dim3A_296 = arith.constant 506 : i32
    %broadcast_in_dim3A_297 = vector.broadcast %broadcast_in_dim3A_296 : i32 to vector<16xi32>
    %iota3A_298 = tpu.iota {dimensions = array<i32: 0>} : vector<16xi32>
    %add3A_299 = arith.constant 0 : i32
    %add3A_300 = vector.broadcast %add3A_299 : i32 to vector<16xi32>
    %add3A_301 = arith.addi %iota3A_298, %add3A_300 : vector<16xi32>
    %gather3A_302 = tpu.vector_load_idx %arg8[%add3A_301, %broadcast_in_dim3A_295] : memref<64x128xf32, #tpu.memory_space<vmem>>[vector<16xi32>, vector<16xi32>], vector<16xf32>,
    %iota3A_303 = tpu.iota {dimensions = array<i32: 0>} : vector<16xi32>
    %add3A_304 = arith.constant 0 : i32
    %add3A_305 = vector.broadcast %add3A_304 : i32 to vector<16xi32>
    %add3A_306 = arith.addi %iota3A_303, %add3A_305 : vector<16xi32>
    tpu.vector_store_idx %arg14[%add3A_306, %broadcast_in_dim3A_297], %gather3A_302 : memref<64x512xf32, #tpu.memory_space<vmem>>[vector<16xi32>, vector<16xi32>], vector<16xf32>,
    %iota3A_307 = tpu.iota {dimensions = array<i32: 0>} : vector<16xi32>
    %add3A_308 = arith.constant 16 : i32
    %add3A_309 = vector.broadcast %add3A_308 : i32 to vector<16xi32>
    %add3A_310 = arith.addi %iota3A_307, %add3A_309 : vector<16xi32>
    %gather3A_311 = tpu.vector_load_idx %arg8[%add3A_310, %broadcast_in_dim3A_295] : memref<64x128xf32, #tpu.memory_space<vmem>>[vector<16xi32>, vector<16xi32>], vector<16xf32>,
    %iota3A_312 = tpu.iota {dimensions = array<i32: 0>} : vector<16xi32>
    %add3A_313 = arith.constant 16 : i32
    %add3A_314 = vector.broadcast %add3A_313 : i32 to vector<16xi32>
    %add3A_315 = arith.addi %iota3A_312, %add3A_314 : vector<16xi32>
    tpu.vector_store_idx %arg14[%add3A_315, %broadcast_in_dim3A_297], %gather3A_311 : memref<64x512xf32, #tpu.memory_space<vmem>>[vector<16xi32>, vector<16xi32>], vector<16xf32>,
    %iota3A_316 = tpu.iota {dimensions = array<i32: 0>} : vector<16xi32>
    %add3A_317 = arith.constant 32 : i32
    %add3A_318 = vector.broadcast %add3A_317 : i32 to vector<16xi32>
    %add3A_319 = arith.addi %iota3A_316, %add3A_318 : vector<16xi32>
    %gather3A_320 = tpu.vector_load_idx %arg8[%add3A_319, %broadcast_in_dim3A_295] : memref<64x128xf32, #tpu.memory_space<vmem>>[vector<16xi32>, vector<16xi32>], vector<16xf32>,
    %iota3A_321 = tpu.iota {dimensions = array<i32: 0>} : vector<16xi32>
    %add3A_322 = arith.constant 32 : i32
    %add3A_323 = vector.broadcast %add3A_322 : i32 to vector<16xi32>
    %add3A_324 = arith.addi %iota3A_321, %add3A_323 : vector<16xi32>
    tpu.vector_store_idx %arg14[%add3A_324, %broadcast_in_dim3A_297], %gather3A_320 : memref<64x512xf32, #tpu.memory_space<vmem>>[vector<16xi32>, vector<16xi32>], vector<16xf32>,
    %iota3A_325 = tpu.iota {dimensions = array<i32: 0>} : vector<16xi32>
    %add3A_326 = arith.constant 48 : i32
    %add3A_327 = vector.broadcast %add3A_326 : i32 to vector<16xi32>
    %add3A_328 = arith.addi %iota3A_325, %add3A_327 : vector<16xi32>
    %gather3A_329 = tpu.vector_load_idx %arg8[%add3A_328, %broadcast_in_dim3A_295] : memref<64x128xf32, #tpu.memory_space<vmem>>[vector<16xi32>, vector<16xi32>], vector<16xf32>,
    %iota3A_330 = tpu.iota {dimensions = array<i32: 0>} : vector<16xi32>
    %add3A_331 = arith.constant 48 : i32
    %add3A_332 = vector.broadcast %add3A_331 : i32 to vector<16xi32>
    %add3A_333 = arith.addi %iota3A_330, %add3A_332 : vector<16xi32>
    tpu.vector_store_idx %arg14[%add3A_333, %broadcast_in_dim3A_297], %gather3A_329 : memref<64x512xf32, #tpu.memory_space<vmem>>[vector<16xi32>, vector<16xi32>], vector<16xf32>,
    %dma_wait3A_334 = arith.constant 0 : i32
    %dma_wait3A_335 = arith.constant 0 : i32
    %dma_wait3A_336 = tpu.memref_slice %arg9[%dma_wait3A_334, %dma_wait3A_335] : memref<64x128xf32, #tpu.memory_space<vmem>> -> memref<64x128xf32, #tpu.memory_space<vmem>>
    %dma_wait3A_337 = arith.constant 0 : i32
    %dma_wait3A_338 = arith.constant 0 : i32
    %dma_wait3A_339 = tpu.memref_slice %arg2[%dma_wait3A_337, %dma_wait3A_338] : memref<64x1000001xf32, #tpu.memory_space<hbm>> -> memref<64x128xf32, #tpu.memory_space<hbm>>
    %dma_wait3A_340 = arith.constant 0 : i32
    %dma_wait3A_341 = arith.constant 0 : i32
    %dma_wait3A_342 = tpu.memref_slice %arg9[%dma_wait3A_340, %dma_wait3A_341] : memref<64x128xf32, #tpu.memory_space<vmem>> -> memref<64x128xf32, #tpu.memory_space<vmem>>
    %dma_wait3A_343 = arith.constant 0 : i32
    %dma_wait3A_344 = arith.constant 0 : i32
    %dma_wait3A_345 = tpu.memref_slice %arg2[%dma_wait3A_343, %dma_wait3A_344] : memref<64x1000001xf32, #tpu.memory_space<hbm>> -> memref<64x128xf32, #tpu.memory_space<hbm>>
    tpu.wait_dma2 semaphore(%arg19 : memref<!tpu.dma_semaphore, #tpu.memory_space<semaphore_mem>>) src(%dma_wait3A_345 : memref<64x128xf32, #tpu.memory_space<hbm>>) dst(%dma_wait3A_342 : memref<64x128xf32, #tpu.memory_space<vmem>>)
    %get3A_346 = arith.constant 507 : index
    %get3A_347 = tpu.vector_load %arg5[%get3A_346] {strides = array<i32>} : memref<528xi32, #tpu.memory_space<vmem>>, vector<16xi32>,
    %slice3A_348 = vector.extract_strided_slice %get3A_347 {offsets = [0], sizes = [1], strides = [1]} : vector<16xi32> to vector<1xi32>
    %squeeze3A_349 = vector.extract %slice3A_348[0] : i32 from vector<1xi32>
    %and3A_350 = arith.constant 127 : i32
    %and3A_351 = arith.andi %squeeze3A_349, %and3A_350 : i32
    %broadcast_in_dim3A_352 = vector.broadcast %and3A_351 : i32 to vector<16xi32>
    %broadcast_in_dim3A_353 = arith.constant 507 : i32
    %broadcast_in_dim3A_354 = vector.broadcast %broadcast_in_dim3A_353 : i32 to vector<16xi32>
    %iota3A_355 = tpu.iota {dimensions = array<i32: 0>} : vector<16xi32>
    %add3A_356 = arith.constant 0 : i32
    %add3A_357 = vector.broadcast %add3A_356 : i32 to vector<16xi32>
    %add3A_358 = arith.addi %iota3A_355, %add3A_357 : vector<16xi32>
    %gather3A_359 = tpu.vector_load_idx %arg9[%add3A_358, %broadcast_in_dim3A_352] : memref<64x128xf32, #tpu.memory_space<vmem>>[vector<16xi32>, vector<16xi32>], vector<16xf32>,
    %iota3A_360 = tpu.iota {dimensions = array<i32: 0>} : vector<16xi32>
    %add3A_361 = arith.constant 0 : i32
    %add3A_362 = vector.broadcast %add3A_361 : i32 to vector<16xi32>
    %add3A_363 = arith.addi %iota3A_360, %add3A_362 : vector<16xi32>
    tpu.vector_store_idx %arg14[%add3A_363, %broadcast_in_dim3A_354], %gather3A_359 : memref<64x512xf32, #tpu.memory_space<vmem>>[vector<16xi32>, vector<16xi32>], vector<16xf32>,
    %iota3A_364 = tpu.iota {dimensions = array<i32: 0>} : vector<16xi32>
    %add3A_365 = arith.constant 16 : i32
    %add3A_366 = vector.broadcast %add3A_365 : i32 to vector<16xi32>
    %add3A_367 = arith.addi %iota3A_364, %add3A_366 : vector<16xi32>
    %gather3A_368 = tpu.vector_load_idx %arg9[%add3A_367, %broadcast_in_dim3A_352] : memref<64x128xf32, #tpu.memory_space<vmem>>[vector<16xi32>, vector<16xi32>], vector<16xf32>,
    %iota3A_369 = tpu.iota {dimensions = array<i32: 0>} : vector<16xi32>
    %add3A_370 = arith.constant 16 : i32
    %add3A_371 = vector.broadcast %add3A_370 : i32 to vector<16xi32>
    %add3A_372 = arith.addi %iota3A_369, %add3A_371 : vector<16xi32>
    tpu.vector_store_idx %arg14[%add3A_372, %broadcast_in_dim3A_354], %gather3A_368 : memref<64x512xf32, #tpu.memory_space<vmem>>[vector<16xi32>, vector<16xi32>], vector<16xf32>,
    %iota3A_373 = tpu.iota {dimensions = array<i32: 0>} : vector<16xi32>
    %add3A_374 = arith.constant 32 : i32
    %add3A_375 = vector.broadcast %add3A_374 : i32 to vector<16xi32>
    %add3A_376 = arith.addi %iota3A_373, %add3A_375 : vector<16xi32>
    %gather3A_377 = tpu.vector_load_idx %arg9[%add3A_376, %broadcast_in_dim3A_352] : memref<64x128xf32, #tpu.memory_space<vmem>>[vector<16xi32>, vector<16xi32>], vector<16xf32>,
    %iota3A_378 = tpu.iota {dimensions = array<i32: 0>} : vector<16xi32>
    %add3A_379 = arith.constant 32 : i32
    %add3A_380 = vector.broadcast %add3A_379 : i32 to vector<16xi32>
    %add3A_381 = arith.addi %iota3A_378, %add3A_380 : vector<16xi32>
    tpu.vector_store_idx %arg14[%add3A_381, %broadcast_in_dim3A_354], %gather3A_377 : memref<64x512xf32, #tpu.memory_space<vmem>>[vector<16xi32>, vector<16xi32>], vector<16xf32>,
    %iota3A_382 = tpu.iota {dimensions = array<i32: 0>} : vector<16xi32>
    %add3A_383 = arith.constant 48 : i32
    %add3A_384 = vector.broadcast %add3A_383 : i32 to vector<16xi32>
    %add3A_385 = arith.addi %iota3A_382, %add3A_384 : vector<16xi32>
    %gather3A_386 = tpu.vector_load_idx %arg9[%add3A_385, %broadcast_in_dim3A_352] : memref<64x128xf32, #tpu.memory_space<vmem>>[vector<16xi32>, vector<16xi32>], vector<16xf32>,
    %iota3A_387 = tpu.iota {dimensions = array<i32: 0>} : vector<16xi32>
    %add3A_388 = arith.constant 48 : i32
    %add3A_389 = vector.broadcast %add3A_388 : i32 to vector<16xi32>
    %add3A_390 = arith.addi %iota3A_387, %add3A_389 : vector<16xi32>
    tpu.vector_store_idx %arg14[%add3A_390, %broadcast_in_dim3A_354], %gather3A_386 : memref<64x512xf32, #tpu.memory_space<vmem>>[vector<16xi32>, vector<16xi32>], vector<16xf32>,
    %dma_wait3A_391 = arith.constant 0 : i32
    %dma_wait3A_392 = arith.constant 0 : i32
    %dma_wait3A_393 = tpu.memref_slice %arg10[%dma_wait3A_391, %dma_wait3A_392] : memref<64x128xf32, #tpu.memory_space<vmem>> -> memref<64x128xf32, #tpu.memory_space<vmem>>
    %dma_wait3A_394 = arith.constant 0 : i32
    %dma_wait3A_395 = arith.constant 0 : i32
    %dma_wait3A_396 = tpu.memref_slice %arg2[%dma_wait3A_394, %dma_wait3A_395] : memref<64x1000001xf32, #tpu.memory_space<hbm>> -> memref<64x128xf32, #tpu.memory_space<hbm>>
    %dma_wait3A_397 = arith.constant 0 : i32
    %dma_wait3A_398 = arith.constant 0 : i32
    %dma_wait3A_399 = tpu.memref_slice %arg10[%dma_wait3A_397, %dma_wait3A_398] : memref<64x128xf32, #tpu.memory_space<vmem>> -> memref<64x128xf32, #tpu.memory_space<vmem>>
    %dma_wait3A_400 = arith.constant 0 : i32
    %dma_wait3A_401 = arith.constant 0 : i32
    %dma_wait3A_402 = tpu.memref_slice %arg2[%dma_wait3A_400, %dma_wait3A_401] : memref<64x1000001xf32, #tpu.memory_space<hbm>> -> memref<64x128xf32, #tpu.memory_space<hbm>>
    tpu.wait_dma2 semaphore(%arg20 : memref<!tpu.dma_semaphore, #tpu.memory_space<semaphore_mem>>) src(%dma_wait3A_402 : memref<64x128xf32, #tpu.memory_space<hbm>>) dst(%dma_wait3A_399 : memref<64x128xf32, #tpu.memory_space<vmem>>)
    %get3A_403 = arith.constant 508 : index
    %get3A_404 = tpu.vector_load %arg5[%get3A_403] {strides = array<i32>} : memref<528xi32, #tpu.memory_space<vmem>>, vector<16xi32>,
    %slice3A_405 = vector.extract_strided_slice %get3A_404 {offsets = [0], sizes = [1], strides = [1]} : vector<16xi32> to vector<1xi32>
    %squeeze3A_406 = vector.extract %slice3A_405[0] : i32 from vector<1xi32>
    %and3A_407 = arith.constant 127 : i32
    %and3A_408 = arith.andi %squeeze3A_406, %and3A_407 : i32
    %broadcast_in_dim3A_409 = vector.broadcast %and3A_408 : i32 to vector<16xi32>
    %broadcast_in_dim3A_410 = arith.constant 508 : i32
    %broadcast_in_dim3A_411 = vector.broadcast %broadcast_in_dim3A_410 : i32 to vector<16xi32>
    %iota3A_412 = tpu.iota {dimensions = array<i32: 0>} : vector<16xi32>
    %add3A_413 = arith.constant 0 : i32
    %add3A_414 = vector.broadcast %add3A_413 : i32 to vector<16xi32>
    %add3A_415 = arith.addi %iota3A_412, %add3A_414 : vector<16xi32>
    %gather3A_416 = tpu.vector_load_idx %arg10[%add3A_415, %broadcast_in_dim3A_409] : memref<64x128xf32, #tpu.memory_space<vmem>>[vector<16xi32>, vector<16xi32>], vector<16xf32>,
    %iota3A_417 = tpu.iota {dimensions = array<i32: 0>} : vector<16xi32>
    %add3A_418 = arith.constant 0 : i32
    %add3A_419 = vector.broadcast %add3A_418 : i32 to vector<16xi32>
    %add3A_420 = arith.addi %iota3A_417, %add3A_419 : vector<16xi32>
    tpu.vector_store_idx %arg14[%add3A_420, %broadcast_in_dim3A_411], %gather3A_416 : memref<64x512xf32, #tpu.memory_space<vmem>>[vector<16xi32>, vector<16xi32>], vector<16xf32>,
    %iota3A_421 = tpu.iota {dimensions = array<i32: 0>} : vector<16xi32>
    %add3A_422 = arith.constant 16 : i32
    %add3A_423 = vector.broadcast %add3A_422 : i32 to vector<16xi32>
    %add3A_424 = arith.addi %iota3A_421, %add3A_423 : vector<16xi32>
    %gather3A_425 = tpu.vector_load_idx %arg10[%add3A_424, %broadcast_in_dim3A_409] : memref<64x128xf32, #tpu.memory_space<vmem>>[vector<16xi32>, vector<16xi32>], vector<16xf32>,
    %iota3A_426 = tpu.iota {dimensions = array<i32: 0>} : vector<16xi32>
    %add3A_427 = arith.constant 16 : i32
    %add3A_428 = vector.broadcast %add3A_427 : i32 to vector<16xi32>
    %add3A_429 = arith.addi %iota3A_426, %add3A_428 : vector<16xi32>
    tpu.vector_store_idx %arg14[%add3A_429, %broadcast_in_dim3A_411], %gather3A_425 : memref<64x512xf32, #tpu.memory_space<vmem>>[vector<16xi32>, vector<16xi32>], vector<16xf32>,
    %iota3A_430 = tpu.iota {dimensions = array<i32: 0>} : vector<16xi32>
    %add3A_431 = arith.constant 32 : i32
    %add3A_432 = vector.broadcast %add3A_431 : i32 to vector<16xi32>
    %add3A_433 = arith.addi %iota3A_430, %add3A_432 : vector<16xi32>
    %gather3A_434 = tpu.vector_load_idx %arg10[%add3A_433, %broadcast_in_dim3A_409] : memref<64x128xf32, #tpu.memory_space<vmem>>[vector<16xi32>, vector<16xi32>], vector<16xf32>,
    %iota3A_435 = tpu.iota {dimensions = array<i32: 0>} : vector<16xi32>
    %add3A_436 = arith.constant 32 : i32
    %add3A_437 = vector.broadcast %add3A_436 : i32 to vector<16xi32>
    %add3A_438 = arith.addi %iota3A_435, %add3A_437 : vector<16xi32>
    tpu.vector_store_idx %arg14[%add3A_438, %broadcast_in_dim3A_411], %gather3A_434 : memref<64x512xf32, #tpu.memory_space<vmem>>[vector<16xi32>, vector<16xi32>], vector<16xf32>,
    %iota3A_439 = tpu.iota {dimensions = array<i32: 0>} : vector<16xi32>
    %add3A_440 = arith.constant 48 : i32
    %add3A_441 = vector.broadcast %add3A_440 : i32 to vector<16xi32>
    %add3A_442 = arith.addi %iota3A_439, %add3A_441 : vector<16xi32>
    %gather3A_443 = tpu.vector_load_idx %arg10[%add3A_442, %broadcast_in_dim3A_409] : memref<64x128xf32, #tpu.memory_space<vmem>>[vector<16xi32>, vector<16xi32>], vector<16xf32>,
    %iota3A_444 = tpu.iota {dimensions = array<i32: 0>} : vector<16xi32>
    %add3A_445 = arith.constant 48 : i32
    %add3A_446 = vector.broadcast %add3A_445 : i32 to vector<16xi32>
    %add3A_447 = arith.addi %iota3A_444, %add3A_446 : vector<16xi32>
    tpu.vector_store_idx %arg14[%add3A_447, %broadcast_in_dim3A_411], %gather3A_443 : memref<64x512xf32, #tpu.memory_space<vmem>>[vector<16xi32>, vector<16xi32>], vector<16xf32>,
    %dma_wait3A_448 = arith.constant 0 : i32
    %dma_wait3A_449 = arith.constant 0 : i32
    %dma_wait3A_450 = tpu.memref_slice %arg11[%dma_wait3A_448, %dma_wait3A_449] : memref<64x128xf32, #tpu.memory_space<vmem>> -> memref<64x128xf32, #tpu.memory_space<vmem>>
    %dma_wait3A_451 = arith.constant 0 : i32
    %dma_wait3A_452 = arith.constant 0 : i32
    %dma_wait3A_453 = tpu.memref_slice %arg2[%dma_wait3A_451, %dma_wait3A_452] : memref<64x1000001xf32, #tpu.memory_space<hbm>> -> memref<64x128xf32, #tpu.memory_space<hbm>>
    %dma_wait3A_454 = arith.constant 0 : i32
    %dma_wait3A_455 = arith.constant 0 : i32
    %dma_wait3A_456 = tpu.memref_slice %arg11[%dma_wait3A_454, %dma_wait3A_455] : memref<64x128xf32, #tpu.memory_space<vmem>> -> memref<64x128xf32, #tpu.memory_space<vmem>>
    %dma_wait3A_457 = arith.constant 0 : i32
    %dma_wait3A_458 = arith.constant 0 : i32
    %dma_wait3A_459 = tpu.memref_slice %arg2[%dma_wait3A_457, %dma_wait3A_458] : memref<64x1000001xf32, #tpu.memory_space<hbm>> -> memref<64x128xf32, #tpu.memory_space<hbm>>
    tpu.wait_dma2 semaphore(%arg21 : memref<!tpu.dma_semaphore, #tpu.memory_space<semaphore_mem>>) src(%dma_wait3A_459 : memref<64x128xf32, #tpu.memory_space<hbm>>) dst(%dma_wait3A_456 : memref<64x128xf32, #tpu.memory_space<vmem>>)
    %get3A_460 = arith.constant 509 : index
    %get3A_461 = tpu.vector_load %arg5[%get3A_460] {strides = array<i32>} : memref<528xi32, #tpu.memory_space<vmem>>, vector<16xi32>,
    %slice3A_462 = vector.extract_strided_slice %get3A_461 {offsets = [0], sizes = [1], strides = [1]} : vector<16xi32> to vector<1xi32>
    %squeeze3A_463 = vector.extract %slice3A_462[0] : i32 from vector<1xi32>
    %and3A_464 = arith.constant 127 : i32
    %and3A_465 = arith.andi %squeeze3A_463, %and3A_464 : i32
    %broadcast_in_dim3A_466 = vector.broadcast %and3A_465 : i32 to vector<16xi32>
    %broadcast_in_dim3A_467 = arith.constant 509 : i32
    %broadcast_in_dim3A_468 = vector.broadcast %broadcast_in_dim3A_467 : i32 to vector<16xi32>
    %iota3A_469 = tpu.iota {dimensions = array<i32: 0>} : vector<16xi32>
    %add3A_470 = arith.constant 0 : i32
    %add3A_471 = vector.broadcast %add3A_470 : i32 to vector<16xi32>
    %add3A_472 = arith.addi %iota3A_469, %add3A_471 : vector<16xi32>
    %gather3A_473 = tpu.vector_load_idx %arg11[%add3A_472, %broadcast_in_dim3A_466] : memref<64x128xf32, #tpu.memory_space<vmem>>[vector<16xi32>, vector<16xi32>], vector<16xf32>,
    %iota3A_474 = tpu.iota {dimensions = array<i32: 0>} : vector<16xi32>
    %add3A_475 = arith.constant 0 : i32
    %add3A_476 = vector.broadcast %add3A_475 : i32 to vector<16xi32>
    %add3A_477 = arith.addi %iota3A_474, %add3A_476 : vector<16xi32>
    tpu.vector_store_idx %arg14[%add3A_477, %broadcast_in_dim3A_468], %gather3A_473 : memref<64x512xf32, #tpu.memory_space<vmem>>[vector<16xi32>, vector<16xi32>], vector<16xf32>,
    %iota3A_478 = tpu.iota {dimensions = array<i32: 0>} : vector<16xi32>
    %add3A_479 = arith.constant 16 : i32
    %add3A_480 = vector.broadcast %add3A_479 : i32 to vector<16xi32>
    %add3A_481 = arith.addi %iota3A_478, %add3A_480 : vector<16xi32>
    %gather3A_482 = tpu.vector_load_idx %arg11[%add3A_481, %broadcast_in_dim3A_466] : memref<64x128xf32, #tpu.memory_space<vmem>>[vector<16xi32>, vector<16xi32>], vector<16xf32>,
    %iota3A_483 = tpu.iota {dimensions = array<i32: 0>} : vector<16xi32>
    %add3A_484 = arith.constant 16 : i32
    %add3A_485 = vector.broadcast %add3A_484 : i32 to vector<16xi32>
    %add3A_486 = arith.addi %iota3A_483, %add3A_485 : vector<16xi32>
    tpu.vector_store_idx %arg14[%add3A_486, %broadcast_in_dim3A_468], %gather3A_482 : memref<64x512xf32, #tpu.memory_space<vmem>>[vector<16xi32>, vector<16xi32>], vector<16xf32>,
    %iota3A_487 = tpu.iota {dimensions = array<i32: 0>} : vector<16xi32>
    %add3A_488 = arith.constant 32 : i32
    %add3A_489 = vector.broadcast %add3A_488 : i32 to vector<16xi32>
    %add3A_490 = arith.addi %iota3A_487, %add3A_489 : vector<16xi32>
    %gather3A_491 = tpu.vector_load_idx %arg11[%add3A_490, %broadcast_in_dim3A_466] : memref<64x128xf32, #tpu.memory_space<vmem>>[vector<16xi32>, vector<16xi32>], vector<16xf32>,
    %iota3A_492 = tpu.iota {dimensions = array<i32: 0>} : vector<16xi32>
    %add3A_493 = arith.constant 32 : i32
    %add3A_494 = vector.broadcast %add3A_493 : i32 to vector<16xi32>
    %add3A_495 = arith.addi %iota3A_492, %add3A_494 : vector<16xi32>
    tpu.vector_store_idx %arg14[%add3A_495, %broadcast_in_dim3A_468], %gather3A_491 : memref<64x512xf32, #tpu.memory_space<vmem>>[vector<16xi32>, vector<16xi32>], vector<16xf32>,
    %iota3A_496 = tpu.iota {dimensions = array<i32: 0>} : vector<16xi32>
    %add3A_497 = arith.constant 48 : i32
    %add3A_498 = vector.broadcast %add3A_497 : i32 to vector<16xi32>
    %add3A_499 = arith.addi %iota3A_496, %add3A_498 : vector<16xi32>
    %gather3A_500 = tpu.vector_load_idx %arg11[%add3A_499, %broadcast_in_dim3A_466] : memref<64x128xf32, #tpu.memory_space<vmem>>[vector<16xi32>, vector<16xi32>], vector<16xf32>,
    %iota3A_501 = tpu.iota {dimensions = array<i32: 0>} : vector<16xi32>
    %add3A_502 = arith.constant 48 : i32
    %add3A_503 = vector.broadcast %add3A_502 : i32 to vector<16xi32>
    %add3A_504 = arith.addi %iota3A_501, %add3A_503 : vector<16xi32>
    tpu.vector_store_idx %arg14[%add3A_504, %broadcast_in_dim3A_468], %gather3A_500 : memref<64x512xf32, #tpu.memory_space<vmem>>[vector<16xi32>, vector<16xi32>], vector<16xf32>,
    %dma_wait3A_505 = arith.constant 0 : i32
    %dma_wait3A_506 = arith.constant 0 : i32
    %dma_wait3A_507 = tpu.memref_slice %arg12[%dma_wait3A_505, %dma_wait3A_506] : memref<64x128xf32, #tpu.memory_space<vmem>> -> memref<64x128xf32, #tpu.memory_space<vmem>>
    %dma_wait3A_508 = arith.constant 0 : i32
    %dma_wait3A_509 = arith.constant 0 : i32
    %dma_wait3A_510 = tpu.memref_slice %arg2[%dma_wait3A_508, %dma_wait3A_509] : memref<64x1000001xf32, #tpu.memory_space<hbm>> -> memref<64x128xf32, #tpu.memory_space<hbm>>
    %dma_wait3A_511 = arith.constant 0 : i32
    %dma_wait3A_512 = arith.constant 0 : i32
    %dma_wait3A_513 = tpu.memref_slice %arg12[%dma_wait3A_511, %dma_wait3A_512] : memref<64x128xf32, #tpu.memory_space<vmem>> -> memref<64x128xf32, #tpu.memory_space<vmem>>
    %dma_wait3A_514 = arith.constant 0 : i32
    %dma_wait3A_515 = arith.constant 0 : i32
    %dma_wait3A_516 = tpu.memref_slice %arg2[%dma_wait3A_514, %dma_wait3A_515] : memref<64x1000001xf32, #tpu.memory_space<hbm>> -> memref<64x128xf32, #tpu.memory_space<hbm>>
    tpu.wait_dma2 semaphore(%arg22 : memref<!tpu.dma_semaphore, #tpu.memory_space<semaphore_mem>>) src(%dma_wait3A_516 : memref<64x128xf32, #tpu.memory_space<hbm>>) dst(%dma_wait3A_513 : memref<64x128xf32, #tpu.memory_space<vmem>>)
    %get3A_517 = arith.constant 510 : index
    %get3A_518 = tpu.vector_load %arg5[%get3A_517] {strides = array<i32>} : memref<528xi32, #tpu.memory_space<vmem>>, vector<16xi32>,
    %slice3A_519 = vector.extract_strided_slice %get3A_518 {offsets = [0], sizes = [1], strides = [1]} : vector<16xi32> to vector<1xi32>
    %squeeze3A_520 = vector.extract %slice3A_519[0] : i32 from vector<1xi32>
    %and3A_521 = arith.constant 127 : i32
    %and3A_522 = arith.andi %squeeze3A_520, %and3A_521 : i32
    %broadcast_in_dim3A_523 = vector.broadcast %and3A_522 : i32 to vector<16xi32>
    %broadcast_in_dim3A_524 = arith.constant 510 : i32
    %broadcast_in_dim3A_525 = vector.broadcast %broadcast_in_dim3A_524 : i32 to vector<16xi32>
    %iota3A_526 = tpu.iota {dimensions = array<i32: 0>} : vector<16xi32>
    %add3A_527 = arith.constant 0 : i32
    %add3A_528 = vector.broadcast %add3A_527 : i32 to vector<16xi32>
    %add3A_529 = arith.addi %iota3A_526, %add3A_528 : vector<16xi32>
    %gather3A_530 = tpu.vector_load_idx %arg12[%add3A_529, %broadcast_in_dim3A_523] : memref<64x128xf32, #tpu.memory_space<vmem>>[vector<16xi32>, vector<16xi32>], vector<16xf32>,
    %iota3A_531 = tpu.iota {dimensions = array<i32: 0>} : vector<16xi32>
    %add3A_532 = arith.constant 0 : i32
    %add3A_533 = vector.broadcast %add3A_532 : i32 to vector<16xi32>
    %add3A_534 = arith.addi %iota3A_531, %add3A_533 : vector<16xi32>
    tpu.vector_store_idx %arg14[%add3A_534, %broadcast_in_dim3A_525], %gather3A_530 : memref<64x512xf32, #tpu.memory_space<vmem>>[vector<16xi32>, vector<16xi32>], vector<16xf32>,
    %iota3A_535 = tpu.iota {dimensions = array<i32: 0>} : vector<16xi32>
    %add3A_536 = arith.constant 16 : i32
    %add3A_537 = vector.broadcast %add3A_536 : i32 to vector<16xi32>
    %add3A_538 = arith.addi %iota3A_535, %add3A_537 : vector<16xi32>
    %gather3A_539 = tpu.vector_load_idx %arg12[%add3A_538, %broadcast_in_dim3A_523] : memref<64x128xf32, #tpu.memory_space<vmem>>[vector<16xi32>, vector<16xi32>], vector<16xf32>,
    %iota3A_540 = tpu.iota {dimensions = array<i32: 0>} : vector<16xi32>
    %add3A_541 = arith.constant 16 : i32
    %add3A_542 = vector.broadcast %add3A_541 : i32 to vector<16xi32>
    %add3A_543 = arith.addi %iota3A_540, %add3A_542 : vector<16xi32>
    tpu.vector_store_idx %arg14[%add3A_543, %broadcast_in_dim3A_525], %gather3A_539 : memref<64x512xf32, #tpu.memory_space<vmem>>[vector<16xi32>, vector<16xi32>], vector<16xf32>,
    %iota3A_544 = tpu.iota {dimensions = array<i32: 0>} : vector<16xi32>
    %add3A_545 = arith.constant 32 : i32
    %add3A_546 = vector.broadcast %add3A_545 : i32 to vector<16xi32>
    %add3A_547 = arith.addi %iota3A_544, %add3A_546 : vector<16xi32>
    %gather3A_548 = tpu.vector_load_idx %arg12[%add3A_547, %broadcast_in_dim3A_523] : memref<64x128xf32, #tpu.memory_space<vmem>>[vector<16xi32>, vector<16xi32>], vector<16xf32>,
    %iota3A_549 = tpu.iota {dimensions = array<i32: 0>} : vector<16xi32>
    %add3A_550 = arith.constant 32 : i32
    %add3A_551 = vector.broadcast %add3A_550 : i32 to vector<16xi32>
    %add3A_552 = arith.addi %iota3A_549, %add3A_551 : vector<16xi32>
    tpu.vector_store_idx %arg14[%add3A_552, %broadcast_in_dim3A_525], %gather3A_548 : memref<64x512xf32, #tpu.memory_space<vmem>>[vector<16xi32>, vector<16xi32>], vector<16xf32>,
    %iota3A_553 = tpu.iota {dimensions = array<i32: 0>} : vector<16xi32>
    %add3A_554 = arith.constant 48 : i32
    %add3A_555 = vector.broadcast %add3A_554 : i32 to vector<16xi32>
    %add3A_556 = arith.addi %iota3A_553, %add3A_555 : vector<16xi32>
    %gather3A_557 = tpu.vector_load_idx %arg12[%add3A_556, %broadcast_in_dim3A_523] : memref<64x128xf32, #tpu.memory_space<vmem>>[vector<16xi32>, vector<16xi32>], vector<16xf32>,
    %iota3A_558 = tpu.iota {dimensions = array<i32: 0>} : vector<16xi32>
    %add3A_559 = arith.constant 48 : i32
    %add3A_560 = vector.broadcast %add3A_559 : i32 to vector<16xi32>
    %add3A_561 = arith.addi %iota3A_558, %add3A_560 : vector<16xi32>
    tpu.vector_store_idx %arg14[%add3A_561, %broadcast_in_dim3A_525], %gather3A_557 : memref<64x512xf32, #tpu.memory_space<vmem>>[vector<16xi32>, vector<16xi32>], vector<16xf32>,
    %dma_wait3A_562 = arith.constant 0 : i32
    %dma_wait3A_563 = arith.constant 0 : i32
    %dma_wait3A_564 = tpu.memref_slice %arg13[%dma_wait3A_562, %dma_wait3A_563] : memref<64x128xf32, #tpu.memory_space<vmem>> -> memref<64x128xf32, #tpu.memory_space<vmem>>
    %dma_wait3A_565 = arith.constant 0 : i32
    %dma_wait3A_566 = arith.constant 0 : i32
    %dma_wait3A_567 = tpu.memref_slice %arg2[%dma_wait3A_565, %dma_wait3A_566] : memref<64x1000001xf32, #tpu.memory_space<hbm>> -> memref<64x128xf32, #tpu.memory_space<hbm>>
    %dma_wait3A_568 = arith.constant 0 : i32
    %dma_wait3A_569 = arith.constant 0 : i32
    %dma_wait3A_570 = tpu.memref_slice %arg13[%dma_wait3A_568, %dma_wait3A_569] : memref<64x128xf32, #tpu.memory_space<vmem>> -> memref<64x128xf32, #tpu.memory_space<vmem>>
    %dma_wait3A_571 = arith.constant 0 : i32
    %dma_wait3A_572 = arith.constant 0 : i32
    %dma_wait3A_573 = tpu.memref_slice %arg2[%dma_wait3A_571, %dma_wait3A_572] : memref<64x1000001xf32, #tpu.memory_space<hbm>> -> memref<64x128xf32, #tpu.memory_space<hbm>>
    tpu.wait_dma2 semaphore(%arg23 : memref<!tpu.dma_semaphore, #tpu.memory_space<semaphore_mem>>) src(%dma_wait3A_573 : memref<64x128xf32, #tpu.memory_space<hbm>>) dst(%dma_wait3A_570 : memref<64x128xf32, #tpu.memory_space<vmem>>)
    %get3A_574 = arith.constant 511 : index
    %get3A_575 = tpu.vector_load %arg5[%get3A_574] {strides = array<i32>} : memref<528xi32, #tpu.memory_space<vmem>>, vector<16xi32>,
    %slice3A_576 = vector.extract_strided_slice %get3A_575 {offsets = [0], sizes = [1], strides = [1]} : vector<16xi32> to vector<1xi32>
    %squeeze3A_577 = vector.extract %slice3A_576[0] : i32 from vector<1xi32>
    %and3A_578 = arith.constant 127 : i32
    %and3A_579 = arith.andi %squeeze3A_577, %and3A_578 : i32
    %broadcast_in_dim3A_580 = vector.broadcast %and3A_579 : i32 to vector<16xi32>
    %broadcast_in_dim3A_581 = arith.constant 511 : i32
    %broadcast_in_dim3A_582 = vector.broadcast %broadcast_in_dim3A_581 : i32 to vector<16xi32>
    %iota3A_583 = tpu.iota {dimensions = array<i32: 0>} : vector<16xi32>
    %add3A_584 = arith.constant 0 : i32
    %add3A_585 = vector.broadcast %add3A_584 : i32 to vector<16xi32>
    %add3A_586 = arith.addi %iota3A_583, %add3A_585 : vector<16xi32>
    %gather3A_587 = tpu.vector_load_idx %arg13[%add3A_586, %broadcast_in_dim3A_580] : memref<64x128xf32, #tpu.memory_space<vmem>>[vector<16xi32>, vector<16xi32>], vector<16xf32>,
    %iota3A_588 = tpu.iota {dimensions = array<i32: 0>} : vector<16xi32>
    %add3A_589 = arith.constant 0 : i32
    %add3A_590 = vector.broadcast %add3A_589 : i32 to vector<16xi32>
    %add3A_591 = arith.addi %iota3A_588, %add3A_590 : vector<16xi32>
    tpu.vector_store_idx %arg14[%add3A_591, %broadcast_in_dim3A_582], %gather3A_587 : memref<64x512xf32, #tpu.memory_space<vmem>>[vector<16xi32>, vector<16xi32>], vector<16xf32>,
    %iota3A_592 = tpu.iota {dimensions = array<i32: 0>} : vector<16xi32>
    %add3A_593 = arith.constant 16 : i32
    %add3A_594 = vector.broadcast %add3A_593 : i32 to vector<16xi32>
    %add3A_595 = arith.addi %iota3A_592, %add3A_594 : vector<16xi32>
    %gather3A_596 = tpu.vector_load_idx %arg13[%add3A_595, %broadcast_in_dim3A_580] : memref<64x128xf32, #tpu.memory_space<vmem>>[vector<16xi32>, vector<16xi32>], vector<16xf32>,
    %iota3A_597 = tpu.iota {dimensions = array<i32: 0>} : vector<16xi32>
    %add3A_598 = arith.constant 16 : i32
    %add3A_599 = vector.broadcast %add3A_598 : i32 to vector<16xi32>
    %add3A_600 = arith.addi %iota3A_597, %add3A_599 : vector<16xi32>
    tpu.vector_store_idx %arg14[%add3A_600, %broadcast_in_dim3A_582], %gather3A_596 : memref<64x512xf32, #tpu.memory_space<vmem>>[vector<16xi32>, vector<16xi32>], vector<16xf32>,
    %iota3A_601 = tpu.iota {dimensions = array<i32: 0>} : vector<16xi32>
    %add3A_602 = arith.constant 32 : i32
    %add3A_603 = vector.broadcast %add3A_602 : i32 to vector<16xi32>
    %add3A_604 = arith.addi %iota3A_601, %add3A_603 : vector<16xi32>
    %gather3A_605 = tpu.vector_load_idx %arg13[%add3A_604, %broadcast_in_dim3A_580] : memref<64x128xf32, #tpu.memory_space<vmem>>[vector<16xi32>, vector<16xi32>], vector<16xf32>,
    %iota3A_606 = tpu.iota {dimensions = array<i32: 0>} : vector<16xi32>
    %add3A_607 = arith.constant 32 : i32
    %add3A_608 = vector.broadcast %add3A_607 : i32 to vector<16xi32>
    %add3A_609 = arith.addi %iota3A_606, %add3A_608 : vector<16xi32>
    tpu.vector_store_idx %arg14[%add3A_609, %broadcast_in_dim3A_582], %gather3A_605 : memref<64x512xf32, #tpu.memory_space<vmem>>[vector<16xi32>, vector<16xi32>], vector<16xf32>,
    %iota3A_610 = tpu.iota {dimensions = array<i32: 0>} : vector<16xi32>
    %add3A_611 = arith.constant 48 : i32
    %add3A_612 = vector.broadcast %add3A_611 : i32 to vector<16xi32>
    %add3A_613 = arith.addi %iota3A_610, %add3A_612 : vector<16xi32>
    %gather3A_614 = tpu.vector_load_idx %arg13[%add3A_613, %broadcast_in_dim3A_580] : memref<64x128xf32, #tpu.memory_space<vmem>>[vector<16xi32>, vector<16xi32>], vector<16xf32>,
    %iota3A_615 = tpu.iota {dimensions = array<i32: 0>} : vector<16xi32>
    %add3A_616 = arith.constant 48 : i32
    %add3A_617 = vector.broadcast %add3A_616 : i32 to vector<16xi32>
    %add3A_618 = arith.addi %iota3A_615, %add3A_617 : vector<16xi32>
    tpu.vector_store_idx %arg14[%add3A_618, %broadcast_in_dim3A_582], %gather3A_614 : memref<64x512xf32, #tpu.memory_space<vmem>>[vector<16xi32>, vector<16xi32>], vector<16xf32>,
    "tpu.region"() ({
      %run_scoped3A = tpu.sem_alloc : memref<!tpu.dma_semaphore, #tpu.memory_space<semaphore_mem>>
      %dma_start3A_619 = arith.constant 0 : i32
      %dma_start3A_620 = tpu.memref_slice %arg4[%dma_start3A_619, %mul3A_2] : memref<64x16384xf32, #tpu.memory_space<hbm>> -> memref<64x512xf32, #tpu.memory_space<hbm>>
      %dma_start3A_621 = arith.constant 0 : i32
      %dma_start3A_622 = tpu.memref_slice %arg4[%dma_start3A_621, %mul3A_2] : memref<64x16384xf32, #tpu.memory_space<hbm>> -> memref<64x512xf32, #tpu.memory_space<hbm>>
      tpu.enqueue_dma source(%arg14 : memref<64x512xf32, #tpu.memory_space<vmem>>) target(%dma_start3A_622 : memref<64x512xf32, #tpu.memory_space<hbm>>) target_semaphore(%run_scoped3A : memref<!tpu.dma_semaphore, #tpu.memory_space<semaphore_mem>>)
      %dma_wait3A_623 = arith.constant 0 : i32
      %dma_wait3A_624 = tpu.memref_slice %arg4[%dma_wait3A_623, %mul3A_2] : memref<64x16384xf32, #tpu.memory_space<hbm>> -> memref<64x512xf32, #tpu.memory_space<hbm>>
      %dma_wait3A_625 = arith.constant 0 : i32
      %dma_wait3A_626 = tpu.memref_slice %arg4[%dma_wait3A_625, %mul3A_2] : memref<64x16384xf32, #tpu.memory_space<hbm>> -> memref<64x512xf32, #tpu.memory_space<hbm>>
      tpu.wait_dma2 semaphore(%run_scoped3A : memref<!tpu.dma_semaphore, #tpu.memory_space<semaphore_mem>>) src(%arg14 : memref<64x512xf32, #tpu.memory_space<vmem>>) dst(%dma_wait3A_626 : memref<64x512xf32, #tpu.memory_space<hbm>>)
      tpu.yield
    }) : () -> ()
    return
  }
}

</mosaic_0001>

<sc_bundles>
// kernel: kernel.3.cloned.1.call-start
scs
__scs_entry_jumppad:
0x0: {  	(pc) =	sbr.rel $0x88, $3  }
0x1: {  	(tag) =	ssettag $0x0;
	lr =	simm.s32 $0x1  }
0x2: {  	[smem:$0x3F9E] =	sst lr;
	_ =	strace $0xD0000000  }
0x3: {  	_ = 	snop  }
0x4: {  	_ = 	snop  }
0x5: {  	_ = 	snop  }
0x6: {  	_ = 	snop  }
0x7: {  	_ = 	snop  }
__scs_overlays_trampoline_lowered:
0x8: {  	[smem:$0x3FAD] =	sst s0  }
0x9: {  	[smem:$0x3FAE] =	sst s1  }
0xa: {  	[smem:$0x3FAF] =	sst s2  }
0xb: {  	[smem:$0x3FB0] =	sst s3  }
0xc: {  	[smem:$0x3FB1] =	sst s4  }
0xd: {  	[smem:$0x3FB2] =	sst s5  }
0xe: {  	[smem:$0x3FB3] =	sst s6  }
0xf: {  	[smem:$0x3FB4] =	sst s7  }
0x10: {  	[smem:$0x3FB5] =	sst s8  }
0x11: {  	[smem:$0x3FB6] =	sst s9;
	s0 =	simm.s32 @!p0 $0x0  }
0x12: {  	s1 =	sld [smem:$0x3F9C];
	s0 =	simm.s32 @p0 $0x1  }
0x13: {  	[smem:$0x3FB7] =	sst s0;
	s0 =	simm.s32 @!p1 $0x0  }
0x14: {  	s2 =	sld [smem:$0x3F9B];
	s0 =	simm.s32 @p1 $0x1  }
0x15: {  	[smem:$0x3FB8] =	sst s0;
	s0 =	simm.s32 @!p2 $0x0  }
0x16: {  	s3 =	sld [smem:$0x3FDB];
	s0 =	simm.s32 @p2 $0x1  }
0x17: {  	s4 =	simm.s32 $0x1BF5;
	[smem:$0x3FBA] =	sst s0  }
0x18: {  	s0 =	sld [smem:$0x3F9D];
	_ =	swait.ge [sflag:s4], $0x0  }
0x19: {  	s7 =	sld [smem:$0x3F9E]  }
0x1a: {  	s8 =	sadd.s32 $0xFFFFE003, lr  }
0x1b: {  	s9 =	sadd.s32 $0xFFFFFEF7, lr;
	s5 =	simm.s32 $0xFFFFFFFF;
	p2 =	slt.u32 s8, $0xFFFFF086  }
0x1c: {  	p1 =	slt.u32 s9, $0xF7A;
	s5 =	simm.s32 @!p2 $0x0  }
0x1d: {  	s5 =	simm.s32 @p1 $0x1;
	p0 =	seq.s32 s7, s2  }
0x1e: {  	s7 =	smul.u32 @!p0 $0xF7A, s2;
	p2 =	seq.s32 @!p0 s5, $0x0  }
0x1f: {  	s9 =	smul.u32 $0xF7A, s1;
	s8 =	simm.s32 @!p0 $0x1BF5;
	p2 =	por !p2, p0  }
0x20: {  	[sflag:s8] =	ssyncset.s32 @!p0 $0xFFFFF086;
	s6 =	sadd.s32 @!p0 s3, s7;
	s7 =	simm.s32 @!p0 $0x108  }
0x21: {  	s3 =	sadd.s32 s3, s9;
	s6 =	sadd.s32 @!p0 $0x88, s6;
	s7 =	simm.s32 @p2 $0x1082  }
0x22: {  	[simem:s7], [sflag:s8] =	dma.local @!p0 [hbm:s6], $0xF7A  }
0x23: {  	s9 =	sor.u32 $0xD0000000, s2;
	s6 =	simm.s32 $0x108;
	_ =	swait.ge @!p0 [sflag:s8], $0x0  }
0x24: {  	s3 =	sadd.s32 $0x88, s3;
	s6 =	simm.s32 @!p1 $0x1082;
	[sflag:s4] =	ssyncset.s32 $0xFFFFF086  }
0x25: {  	[simem:s6], [sflag:s4] =	dma.local [hbm:s3], $0xF7A  }
0x26: {  	[smem:$0x3F9E] =	sst s1;
	(tag) =	ssettag s2;
	_ =	strace s9  }
0x27: {  	s1 =	sld [smem:$0x3FAE]  }
0x28: {  	s2 =	sld [smem:$0x3FAF]  }
0x29: {  	s4 =	sld [smem:$0x3FB1]  }
0x2a: {  	p0 =	seq.s32 s5, $0x0;
	s5 =	sld [smem:$0x3FB2]  }
0x2b: {  	s6 =	sld [smem:$0x3FB3]  }
0x2c: {  	s7 =	sld [smem:$0x3FB4]  }
0x2d: {  	s3 =	simm.s32 $0x108;
	s8 =	sld [smem:$0x3FB5]  }
0x2e: {  	s3 =	simm.s32 @!p0 $0x1082;
	s9 =	sld [smem:$0x3FB6]  }
0x2f: {  	lr =	sadd.s32 s0, s3;
	s0 =	sld [smem:$0x3FAD]  }
0x30: {  	s3 =	sld [smem:$0x3FB0]  }
0x31: {  	[smem:$0x3FB9] =	sst s10  }
0x32: {  	s10 =	sld [smem:$0x3FB7];
	_ =	sdelay $0x3  }
0x33: {  	p0 =	seq.s32 s10, $0x1;
	s10 =	sld [smem:$0x3FB9];
	_ =	sdelay $0x3  }
0x34: {  	[smem:$0x3FB9] =	sst s10  }
0x35: {  	s10 =	sld [smem:$0x3FB8];
	_ =	sdelay $0x3  }
0x36: {  	p1 =	seq.s32 s10, $0x1;
	s10 =	sld [smem:$0x3FB9];
	_ =	sdelay $0x3  }
0x37: {  	[smem:$0x3FB9] =	sst s10  }
0x38: {  	s10 =	sld [smem:$0x3FBA]  }
0x39: {  	_ = 	snop;
	(pc) =	sbr.ind lr, $3  }
0x3a: {  	_ = 	snop  }
0x3b: {  	_ = 	snop  }
0x3c: {  	p2 =	seq.s32 s10, $0x1;
	s10 =	sld [smem:$0x3FB9]  }
0x3d: {  	_ =	shalt  }
0x3e: {  	_ =	shalt  }
0x3f: {  	_ =	shalt  }
0x40: {  	_ =	shalt  }
0x41: {  	_ =	shalt  }
0x42: {  	_ =	shalt  }
0x43: {  	_ =	shalt  }
0x44: {  	_ =	shalt  }
0x45: {  	_ =	shalt  }
0x46: {  	_ =	shalt  }
0x47: {  	_ =	shalt  }
0x48: {  	_ =	shalt  }
0x49: {  	_ =	shalt  }
0x4a: {  	_ =	shalt  }
0x4b: {  	_ =	shalt  }
0x4c: {  	_ =	shalt  }
0x4d: {  	_ =	shalt  }
0x4e: {  	_ =	shalt  }
0x4f: {  	_ =	shalt  }
0x50: {  	_ =	shalt  }
0x51: {  	_ =	shalt  }
0x52: {  	_ =	shalt  }
0x53: {  	_ =	shalt  }
0x54: {  	_ =	shalt  }
0x55: {  	_ =	shalt  }
0x56: {  	_ =	shalt  }
0x57: {  	_ =	shalt  }
0x58: {  	_ =	shalt  }
0x59: {  	_ =	shalt  }
0x5a: {  	_ =	shalt  }
0x5b: {  	_ =	shalt  }
0x5c: {  	_ =	shalt  }
0x5d: {  	_ =	shalt  }
0x5e: {  	_ =	shalt  }
0x5f: {  	_ =	shalt  }
0x60: {  	_ =	shalt  }
0x61: {  	_ =	shalt  }
0x62: {  	_ =	shalt  }
0x63: {  	_ =	shalt  }
0x64: {  	_ =	shalt  }
0x65: {  	_ =	shalt  }
0x66: {  	_ =	shalt  }
0x67: {  	_ =	shalt  }
0x68: {  	_ =	shalt  }
0x69: {  	_ =	shalt  }
0x6a: {  	_ =	shalt  }
0x6b: {  	_ =	shalt  }
0x6c: {  	_ =	shalt  }
0x6d: {  	_ =	shalt  }
0x6e: {  	_ =	shalt  }
0x6f: {  	_ =	shalt  }
0x70: {  	_ =	shalt  }
0x71: {  	_ =	shalt  }
0x72: {  	_ =	shalt  }
0x73: {  	_ =	shalt  }
0x74: {  	_ =	shalt  }
0x75: {  	_ =	shalt  }
0x76: {  	_ =	shalt  }
0x77: {  	_ =	shalt  }
0x78: {  	_ =	shalt  }
0x79: {  	_ =	shalt  }
0x7a: {  	_ =	shalt  }
0x7b: {  	_ =	shalt  }
0x7c: {  	_ =	shalt  }
0x7d: {  	_ =	shalt  }
0x7e: {  	_ =	shalt  }
0x7f: {  	_ =	shalt  }
0x80: {  	_ =	shalt  }
0x81: {  	_ =	shalt  }
0x82: {  	_ =	shalt  }
0x83: {  	_ =	shalt  }
0x84: {  	_ =	shalt  }
0x85: {  	_ =	shalt  }
0x86: {  	_ =	shalt  }
0x87: {  	_ =	shalt  }
.Lfunc_end0:
.L_simem_size_0:
called_computation_lowered:
.L_overlay_start_0:
0x88: {  	s2 =	sld [smem:$0x3FD9]  }
0x89: {  	s3 =	sld [smem:$0x3FFE];
	_ =	sdelay $0x1  }
0x8a: {  	s1 =	srdreg.scid  }
0x8b: {  	s0 =	sand.u32 $0x1, s1  }
0x8c: {  	s17 =	sshll.u32 s0, $0xA;
	s2 =	sadd.s32 s3, s2  }
0x8d: {  	s2 =	sadd.s32 s2, s17  }
0x8e: {  	[smem:$0x3FC5] =	sst s2  }
0x8f: {  	_ = 	snop  }
0x90: {  	s2 =	sld [smem:$0x3FC8]  }
0x91: {  	s18 =	sld [smem:$0x3FD0];
	(tm) =	ssettm $0x1  }
0x92: {  	s4 =	sld [smem:$0x3FFB];
	_ =	sdelay $0x3  }
0x93: {  	_ =	strace s4  }
0x94: {  	s4 =	sld [smem:$0x3FFC];
	_ =	sdelay $0x3  }
0x95: {  	_ =	strace s4  }
0x96: {  	s4 =	sld [smem:$0x3FFD];
	_ =	sdelay $0x3  }
0x97: {  	_ =	strace s4  }
0x98: {  	_ =	strace $0x8FFFFFFF  }
0x99: {  	s19 =	sld [smem:$0x3FDB];
	_ =	sdelay $0x1  }
0x9a: {  	s5 =	simm.s32 $_scs_section_size  }
0x9b: {  	s6 =	simm.s32 $_size__tile_overlayer_lowered;
	s7 =	simm.s32 $_tile_overlayer_lowered  }
0x9c: {  	s22 =	simm.s32 $0x1BFF;
	s21 =	sshll.u32 s7, $0x1;
	s4 =	sadd.s32 s5, s19  }
0x9d: {  	s8 =	simm.s32 $0x0;
	s20 =	sshll.u32 s6, $0x1;
	s6 =	sadd.s32 s21, s4  }
0x9e: {  	[timem:s8], [sflag:s22] =	dma.local [hbm:s6], s20  }
0x9f: {  	_ =	swait.ge [sflag:s22], s20  }
0xa0: {  	s5 =	ssub.s32 $0x0, s20;
	[sflag:s22] =	ssyncset.done $0x0  }
0xa1: {  	[sflag:s22] =	ssyncadd.s32 s5;
	_ =	sdelay $0x1  }
0xa2: {  	s23 =	simm.s32 $0x1B8B  }
0xa3: {  	_ =	swait.ge [sflag:s23], $0x1  }
0xa4: {  	[sflag:s23] =	ssyncset.done $0x0  }
0xa5: {  	s25 =	simm.s32 $0x1B8E;
	s24 =	sld [smem:$0x3FFE];
	[sflag:s23] =	ssyncadd.s32 $0xFFFFFFFF  }
0xa6: {  	s26 =	simm.s32 $execute0_lowered;
	[smem:$0x3FD2] =	sst s25  }
0xa7: {  	s6 =	sshll.u32 s26, $0x1;
	_ =	strace $0x80000046;
	[dreg:$0x1] =	wrdreg $0xFFFFFFFF  }
0xa8: {  	s28 =	simm.s32 $_size_execute0_lowered;
	s4 =	sadd.s32 s4, s6;
	[dreg:$0x0] =	wrdreg $0x0  }
0xa9: {  	s6 =	sshll.u32 s28, $0x1;
	[dreg:$0x2] =	wrdreg s4  }
0xaa: {  	[dreg:$0x3] =	wrdreg s6  }
0xab: {  	[dreg:$0x4] =	wrdreg $0xC0  }
0xac: {  	_ =	task [dreg:s8], $0x5FFFF  }
0xad: {  	[dreg:$0x1] =	wrdreg $0xFFFFFFFF  }
0xae: {  	[dreg:$0x0] =	wrdreg $0x60  }
0xaf: {  	[dreg:$0x2] =	wrdreg s2  }
0xb0: {  	[dreg:$0x3] =	wrdreg s24  }
0xb1: {  	[dreg:$0x4] =	wrdreg s18  }
0xb2: {  	[dreg:$0x5] =	wrdreg $0x9  }
0xb3: {  	_ =	task.clear_ibuf [dreg:s8], $0x6FFFF;
	_ =	strace $0x90000046  }
0xb4: {  	s29 =	simm.s32 $0x9;
	_ =	strace $0x80000048  }
0xb5: {  	_ =	swait.ge [sflag:s29], $0x1  }
0xb6: {  	[sflag:s29] =	ssyncadd.s32 $0xFFFFFFFF  }
0xb7: {  	_ =	strace $0x90000048  }
0xb8: {  	_ =	sfence  }
0xb9: {  	s30 =	sld [smem:$0x0];
	_ =	sdelay $0x2  }
0xba: {  	s31 =	sshll.u32 s1, $0xD;
	s1 =	sshrl.u32 s1, $0x2  }
0xbb: {  	s3 =	sand.u32 $0x4000, s31;
	s1 =	sadd.s32 s1, s30  }
0xbc: {  	s0 =	sor.u32 s3, s0;
	s1 =	sshll.u32 s1, $0x11  }
0xbd: {  	s0 =	sor.u32 s1, s0  }
0xbe: {  	s0 =	sadd.s32 $0x8F2B, s0  }
0xbf: {  	[sflag:s0] =	ssyncadd.remote.s32 $0x1  }
0xc0: {  	_ =	sfence.sel $0xFFFF  }
0xc1: {  	[dreg:$0x0] =	wrdreg $0xFFFFFFFF;
	(pc) =	sbr.abs _section_cstart, $3  }
0xc2: {  	[dreg:$0x1] =	wrdreg $0xFFFFFFFF  }
0xc3: {  	_ =	task.clear_ibuf [dreg:s8], $0x2FFFF;
	_ =	strace $0x9FFFFFFF  }
0xc4: {  	(tm) =	ssettm $0x7FFFFFFF  }
0xc5: {  	_ =	shalt  }
tec
execute0_lowered:
.L_overlay_start_1:
0x0: {  	(tag) =	ssettag $0x1  }
0x1: {  	v0 =	vimm.s32 $0x1380;
	vm14 =	vcmask $0x300;
	vm13 =	vcmask $0x704  }
0x2: {  	vm12 =	vcmask $0xB08;
	vm11 =	vcmask $0xF0C;
	vm10 =	vcmask $0x1310  }
0x3: {  	vm9 =	vcmask $0x1714;
	vm8 =	vcmask $0x1B18;
	v2 =	vlaneseq.u32  }
0x4: {  	vm5 =	vcmask $0x1F1C;
	vm0 =	vcmask $0x2320;
	v4 =	vimm.s32 $0x5380  }
0x5: {  	vm1 =	vcmask $0x2724;
	vm2 =	vcmask $0x2B28;
	vm3 =	vcmask $0x2F2C  }
0x6: {  	vm4 =	vcmask $0x3330;
	vm6 =	vcmask $0x3734;
	vm7 =	vcmask $0x3B38  }
0x7: {  	v8 =	vimm.s32 $0x7380;
	v9 =	vimm.s32 $0x1FF8;
	v10 =	vimm.s32 $0x3FF8  }
0x8: {  	v11 =	vimm.s32 $0x5FF8;
	v12 =	vimm.s32 $0x7FF8;
	v13 =	vimm.s32 $0x1FF9  }
0x9: {  	v14 =	vimm.s32 $0x3FF9;
	v15 =	vimm.s32 $0x5FF9;
	v16 =	vimm.s32 $0x7FF9  }
0xa: {  	v17 =	vimm.s32 $0x1FFA;
	v18 =	vimm.s32 $0x3FFA;
	v19 =	vimm.s32 $0x5FFA  }
0xb: {  	v20 =	vimm.s32 $0x7FFA;
	v21 =	vimm.s32 $0x1FFB;
	v22 =	vimm.s32 $0x3FFB  }
0xc: {  	v23 =	vimm.s32 $0x5FFB;
	v24 =	vimm.s32 $0x7FFB;
	v25 =	vimm.s32 $0x1FFC  }
0xd: {  	v26 =	vimm.s32 $0x3FFC;
	v27 =	vimm.s32 $0x5FFC;
	v28 =	vimm.s32 $0x7FFC  }
0xe: {  	v29 =	vimm.s32 $0x1FFD;
	v30 =	vimm.s32 $0x3FFD;
	v31 =	vimm.s32 $0x5FFD  }
0xf: {  	v32 =	vimm.s32 $0x7FFD;
	v33 =	vimm.s32 $0x1FFE;
	v34 =	vimm.s32 $0x3FFE  }
0x10: {  	v35 =	vimm.s32 $0x5FFE;
	v36 =	vimm.s32 $0x7FFE;
	v37 =	vimm.s32 $0x1FFF  }
0x11: {  	v38 =	vimm.s32 $0x3FFF;
	v39 =	vimm.s32 $0x5FFF;
	v40 =	vimm.s32 $0x7FFF  }
0x12: {  	v0 =	vsel vm14, $0x0, v0;
	v4 =	vsel vm14, $0x4000, v4;
	v8 =	vsel vm14, $0x6000, v8  }
0x13: {  	v9 =	vsel vm14, $0xC78, v9;
	v10 =	vsel vm14, $0x2C78, v10;
	v11 =	vsel vm14, $0x4C78, v11  }
0x14: {  	v12 =	vsel vm14, $0x6C78, v12;
	v13 =	vsel vm14, $0xC79, v13;
	v14 =	vsel vm14, $0x2C79, v14  }
0x15: {  	v15 =	vsel vm14, $0x4C79, v15;
	v16 =	vsel vm14, $0x6C79, v16;
	v17 =	vsel vm14, $0xC7A, v17  }
0x16: {  	v18 =	vsel vm14, $0x2C7A, v18;
	v19 =	vsel vm14, $0x4C7A, v19;
	v20 =	vsel vm14, $0x6C7A, v20  }
0x17: {  	v21 =	vsel vm14, $0xC7B, v21;
	v22 =	vsel vm14, $0x2C7B, v22;
	v23 =	vsel vm14, $0x4C7B, v23  }
0x18: {  	v24 =	vsel vm14, $0x6C7B, v24;
	v25 =	vsel vm14, $0xC7C, v25;
	v26 =	vsel vm14, $0x2C7C, v26  }
0x19: {  	v27 =	vsel vm14, $0x4C7C, v27;
	v28 =	vsel vm14, $0x6C7C, v28;
	v29 =	vsel vm14, $0xC7D, v29  }
0x1a: {  	v30 =	vsel vm14, $0x2C7D, v30;
	v31 =	vsel vm14, $0x4C7D, v31;
	v32 =	vsel vm14, $0x6C7D, v32  }
0x1b: {  	v33 =	vsel vm14, $0xC7E, v33;
	v34 =	vsel vm14, $0x2C7E, v34;
	v35 =	vsel vm14, $0x4C7E, v35  }
0x1c: {  	v36 =	vsel vm14, $0x6C7E, v36;
	v37 =	vsel vm14, $0xC7F, v37;
	v38 =	vsel vm14, $0x2C7F, v38  }
0x1d: {  	v39 =	vsel vm14, $0x4C7F, v39;
	v40 =	vsel vm14, $0x6C7F, v40;
	v0 =	vsel vm13, $0x80, v0  }
0x1e: {  	v4 =	vsel vm13, $0x4080, v4;
	v8 =	vsel vm13, $0x6080, v8;
	v9 =	vsel vm13, $0xCF8, v9  }
0x1f: {  	v10 =	vsel vm13, $0x2CF8, v10;
	v11 =	vsel vm13, $0x4CF8, v11;
	v12 =	vsel vm13, $0x6CF8, v12  }
0x20: {  	v13 =	vsel vm13, $0xCF9, v13;
	v14 =	vsel vm13, $0x2CF9, v14;
	v15 =	vsel vm13, $0x4CF9, v15  }
0x21: {  	v16 =	vsel vm13, $0x6CF9, v16;
	v17 =	vsel vm13, $0xCFA, v17;
	v18 =	vsel vm13, $0x2CFA, v18  }
0x22: {  	v19 =	vsel vm13, $0x4CFA, v19;
	v20 =	vsel vm13, $0x6CFA, v20;
	v21 =	vsel vm13, $0xCFB, v21  }
0x23: {  	v22 =	vsel vm13, $0x2CFB, v22;
	v23 =	vsel vm13, $0x4CFB, v23;
	v24 =	vsel vm13, $0x6CFB, v24  }
0x24: {  	v25 =	vsel vm13, $0xCFC, v25;
	v26 =	vsel vm13, $0x2CFC, v26;
	v27 =	vsel vm13, $0x4CFC, v27  }
0x25: {  	v28 =	vsel vm13, $0x6CFC, v28;
	v29 =	vsel vm13, $0xCFD, v29;
	v30 =	vsel vm13, $0x2CFD, v30  }
0x26: {  	v31 =	vsel vm13, $0x4CFD, v31;
	v32 =	vsel vm13, $0x6CFD, v32;
	v33 =	vsel vm13, $0xCFE, v33  }
0x27: {  	v34 =	vsel vm13, $0x2CFE, v34;
	v35 =	vsel vm13, $0x4CFE, v35;
	v36 =	vsel vm13, $0x6CFE, v36  }
0x28: {  	v37 =	vsel vm13, $0xCFF, v37;
	v38 =	vsel vm13, $0x2CFF, v38;
	v39 =	vsel vm13, $0x4CFF, v39  }
0x29: {  	v40 =	vsel vm13, $0x6CFF, v40;
	v0 =	vsel vm12, $0x100, v0;
	v4 =	vsel vm12, $0x4100, v4  }
0x2a: {  	v8 =	vsel vm12, $0x6100, v8;
	v9 =	vsel vm12, $0xD78, v9;
	v10 =	vsel vm12, $0x2D78, v10  }
0x2b: {  	v11 =	vsel vm12, $0x4D78, v11;
	v12 =	vsel vm12, $0x6D78, v12;
	v13 =	vsel vm12, $0xD79, v13  }
0x2c: {  	v14 =	vsel vm12, $0x2D79, v14;
	v15 =	vsel vm12, $0x4D79, v15;
	v16 =	vsel vm12, $0x6D79, v16  }
0x2d: {  	v17 =	vsel vm12, $0xD7A, v17;
	v18 =	vsel vm12, $0x2D7A, v18;
	v19 =	vsel vm12, $0x4D7A, v19  }
0x2e: {  	v20 =	vsel vm12, $0x6D7A, v20;
	v21 =	vsel vm12, $0xD7B, v21;
	v22 =	vsel vm12, $0x2D7B, v22  }
0x2f: {  	v23 =	vsel vm12, $0x4D7B, v23;
	v24 =	vsel vm12, $0x6D7B, v24;
	v25 =	vsel vm12, $0xD7C, v25  }
0x30: {  	v26 =	vsel vm12, $0x2D7C, v26;
	v27 =	vsel vm12, $0x4D7C, v27;
	v28 =	vsel vm12, $0x6D7C, v28  }
0x31: {  	v29 =	vsel vm12, $0xD7D, v29;
	v30 =	vsel vm12, $0x2D7D, v30;
	v31 =	vsel vm12, $0x4D7D, v31  }
0x32: {  	v32 =	vsel vm12, $0x6D7D, v32;
	v33 =	vsel vm12, $0xD7E, v33;
	v34 =	vsel vm12, $0x2D7E, v34  }
0x33: {  	v35 =	vsel vm12, $0x4D7E, v35;
	v36 =	vsel vm12, $0x6D7E, v36;
	v37 =	vsel vm12, $0xD7F, v37  }
0x34: {  	v38 =	vsel vm12, $0x2D7F, v38;
	v39 =	vsel vm12, $0x4D7F, v39;
	v40 =	vsel vm12, $0x6D7F, v40  }
0x35: {  	v0 =	vsel vm11, $0x180, v0;
	v4 =	vsel vm11, $0x4180, v4;
	v8 =	vsel vm11, $0x6180, v8  }
0x36: {  	v9 =	vsel vm11, $0xDF8, v9;
	v10 =	vsel vm11, $0x2DF8, v10;
	v11 =	vsel vm11, $0x4DF8, v11  }
0x37: {  	v12 =	vsel vm11, $0x6DF8, v12;
	v13 =	vsel vm11, $0xDF9, v13;
	v14 =	vsel vm11, $0x2DF9, v14  }
0x38: {  	v15 =	vsel vm11, $0x4DF9, v15;
	v16 =	vsel vm11, $0x6DF9, v16;
	v17 =	vsel vm11, $0xDFA, v17  }
0x39: {  	v18 =	vsel vm11, $0x2DFA, v18;
	v19 =	vsel vm11, $0x4DFA, v19;
	v20 =	vsel vm11, $0x6DFA, v20  }
0x3a: {  	v21 =	vsel vm11, $0xDFB, v21;
	v22 =	vsel vm11, $0x2DFB, v22;
	v23 =	vsel vm11, $0x4DFB, v23  }
0x3b: {  	v24 =	vsel vm11, $0x6DFB, v24;
	v25 =	vsel vm11, $0xDFC, v25;
	v26 =	vsel vm11, $0x2DFC, v26  }
0x3c: {  	v27 =	vsel vm11, $0x4DFC, v27;
	v28 =	vsel vm11, $0x6DFC, v28;
	v29 =	vsel vm11, $0xDFD, v29  }
0x3d: {  	v30 =	vsel vm11, $0x2DFD, v30;
	v31 =	vsel vm11, $0x4DFD, v31;
	v32 =	vsel vm11, $0x6DFD, v32  }
0x3e: {  	v33 =	vsel vm11, $0xDFE, v33;
	v34 =	vsel vm11, $0x2DFE, v34;
	v35 =	vsel vm11, $0x4DFE, v35  }
0x3f: {  	v36 =	vsel vm11, $0x6DFE, v36;
	v37 =	vsel vm11, $0xDFF, v37;
	v38 =	vsel vm11, $0x2DFF, v38  }
0x40: {  	v39 =	vsel vm11, $0x4DFF, v39;
	v40 =	vsel vm11, $0x6DFF, v40;
	v1 =	vsel vm10, $0x200, v0  }
0x41: {  	v0 =	vimm.s32 $0x0;
	v4 =	vsel vm10, $0x4200, v4;
	v8 =	vsel vm10, $0x6200, v8  }
0x42: {  	v9 =	vsel vm10, $0xE78, v9;
	v10 =	vsel vm10, $0x2E78, v10;
	v11 =	vsel vm10, $0x4E78, v11  }
0x43: {  	v12 =	vsel vm10, $0x6E78, v12;
	v13 =	vsel vm10, $0xE79, v13;
	v14 =	vsel vm10, $0x2E79, v14  }
0x44: {  	v15 =	vsel vm10, $0x4E79, v15;
	v16 =	vsel vm10, $0x6E79, v16;
	v17 =	vsel vm10, $0xE7A, v17  }
0x45: {  	v18 =	vsel vm10, $0x2E7A, v18;
	v19 =	vsel vm10, $0x4E7A, v19;
	v20 =	vsel vm10, $0x6E7A, v20  }
0x46: {  	v21 =	vsel vm10, $0xE7B, v21;
	v22 =	vsel vm10, $0x2E7B, v22;
	v23 =	vsel vm10, $0x4E7B, v23  }
0x47: {  	v24 =	vsel vm10, $0x6E7B, v24;
	v25 =	vsel vm10, $0xE7C, v25;
	v26 =	vsel vm10, $0x2E7C, v26  }
0x48: {  	v27 =	vsel vm10, $0x4E7C, v27;
	v28 =	vsel vm10, $0x6E7C, v28;
	v29 =	vsel vm10, $0xE7D, v29  }
0x49: {  	v30 =	vsel vm10, $0x2E7D, v30;
	v31 =	vsel vm10, $0x4E7D, v31;
	v32 =	vsel vm10, $0x6E7D, v32  }
0x4a: {  	v33 =	vsel vm10, $0xE7E, v33;
	v34 =	vsel vm10, $0x2E7E, v34;
	v35 =	vsel vm10, $0x4E7E, v35  }
0x4b: {  	v36 =	vsel vm10, $0x6E7E, v36;
	v37 =	vsel vm10, $0xE7F, v37;
	v38 =	vsel vm10, $0x2E7F, v38  }
0x4c: {  	v39 =	vsel vm10, $0x4E7F, v39;
	v40 =	vsel vm10, $0x6E7F, v40;
	v1 =	vsel vm9, $0x280, v1  }
0x4d: {  	v4 =	vsel vm9, $0x4280, v4;
	v8 =	vsel vm9, $0x6280, v8;
	v9 =	vsel vm9, $0xEF8, v9  }
0x4e: {  	v10 =	vsel vm9, $0x2EF8, v10;
	v11 =	vsel vm9, $0x4EF8, v11;
	v12 =	vsel vm9, $0x6EF8, v12  }
0x4f: {  	v13 =	vsel vm9, $0xEF9, v13;
	v14 =	vsel vm9, $0x2EF9, v14;
	v15 =	vsel vm9, $0x4EF9, v15  }
0x50: {  	v16 =	vsel vm9, $0x6EF9, v16;
	v17 =	vsel vm9, $0xEFA, v17;
	v18 =	vsel vm9, $0x2EFA, v18  }
0x51: {  	v19 =	vsel vm9, $0x4EFA, v19;
	v20 =	vsel vm9, $0x6EFA, v20;
	v21 =	vsel vm9, $0xEFB, v21  }
0x52: {  	v22 =	vsel vm9, $0x2EFB, v22;
	v23 =	vsel vm9, $0x4EFB, v23;
	v24 =	vsel vm9, $0x6EFB, v24  }
0x53: {  	v25 =	vsel vm9, $0xEFC, v25;
	v26 =	vsel vm9, $0x2EFC, v26;
	v27 =	vsel vm9, $0x4EFC, v27  }
0x54: {  	v28 =	vsel vm9, $0x6EFC, v28;
	v29 =	vsel vm9, $0xEFD, v29;
	v30 =	vsel vm9, $0x2EFD, v30  }
0x55: {  	v31 =	vsel vm9, $0x4EFD, v31;
	v32 =	vsel vm9, $0x6EFD, v32;
	v33 =	vsel vm9, $0xEFE, v33  }
0x56: {  	v34 =	vsel vm9, $0x2EFE, v34;
	v35 =	vsel vm9, $0x4EFE, v35;
	v36 =	vsel vm9, $0x6EFE, v36  }
0x57: {  	v37 =	vsel vm9, $0xEFF, v37;
	v38 =	vsel vm9, $0x2EFF, v38;
	v39 =	vsel vm9, $0x4EFF, v39  }
0x58: {  	v40 =	vsel vm9, $0x6EFF, v40;
	v3 =	vsel vm8, $0x300, v1;
	v1 =	vmul.u32 $0x80, v2  }
0x59: {  	v4 =	vsel vm8, $0x4300, v4;
	v8 =	vsel vm8, $0x6300, v8;
	v9 =	vsel vm8, $0xF78, v9  }
0x5a: {  	v10 =	vsel vm8, $0x2F78, v10;
	v11 =	vsel vm8, $0x4F78, v11;
	v12 =	vsel vm8, $0x6F78, v12  }
0x5b: {  	v13 =	vsel vm8, $0xF79, v13;
	v14 =	vsel vm8, $0x2F79, v14;
	v15 =	vsel vm8, $0x4F79, v15  }
0x5c: {  	v16 =	vsel vm8, $0x6F79, v16;
	v17 =	vsel vm8, $0xF7A, v17;
	v18 =	vsel vm8, $0x2F7A, v18  }
0x5d: {  	v19 =	vsel vm8, $0x4F7A, v19;
	v20 =	vsel vm8, $0x6F7A, v20;
	v21 =	vsel vm8, $0xF7B, v21  }
0x5e: {  	v22 =	vsel vm8, $0x2F7B, v22;
	v23 =	vsel vm8, $0x4F7B, v23;
	v24 =	vsel vm8, $0x6F7B, v24  }
0x5f: {  	v25 =	vsel vm8, $0xF7C, v25;
	v26 =	vsel vm8, $0x2F7C, v26;
	v27 =	vsel vm8, $0x4F7C, v27  }
0x60: {  	v28 =	vsel vm8, $0x6F7C, v28;
	v29 =	vsel vm8, $0xF7D, v29;
	v30 =	vsel vm8, $0x2F7D, v30  }
0x61: {  	v31 =	vsel vm8, $0x4F7D, v31;
	v32 =	vsel vm8, $0x6F7D, v32;
	v33 =	vsel vm8, $0xF7E, v33  }
0x62: {  	v34 =	vsel vm8, $0x2F7E, v34;
	v35 =	vsel vm8, $0x4F7E, v35;
	v36 =	vsel vm8, $0x6F7E, v36  }
0x63: {  	v37 =	vsel vm8, $0xF7F, v37;
	v38 =	vsel vm8, $0x2F7F, v38;
	v39 =	vsel vm8, $0x4F7F, v39  }
0x64: {  	v40 =	vsel vm8, $0x6F7F, v40;
	v2 =	vsel vm5, $0x380, v3;
	v3 =	vimm.s32 $0x3380  }
0x65: {  	v4 =	vsel vm5, $0x4380, v4;
	v8 =	vsel vm5, $0x6380, v8;
	v9 =	vsel vm5, $0xFF8, v9  }
0x66: {  	v10 =	vsel vm5, $0x2FF8, v10;
	v11 =	vsel vm5, $0x4FF8, v11;
	v12 =	vsel vm5, $0x6FF8, v12  }
0x67: {  	v13 =	vsel vm5, $0xFF9, v13;
	v14 =	vsel vm5, $0x2FF9, v14;
	v15 =	vsel vm5, $0x4FF9, v15  }
0x68: {  	v16 =	vsel vm5, $0x6FF9, v16;
	v17 =	vsel vm5, $0xFFA, v17;
	v18 =	vsel vm5, $0x2FFA, v18  }
0x69: {  	v19 =	vsel vm5, $0x4FFA, v19;
	v20 =	vsel vm5, $0x6FFA, v20;
	v21 =	vsel vm5, $0xFFB, v21  }
0x6a: {  	v22 =	vsel vm5, $0x2FFB, v22;
	v23 =	vsel vm5, $0x4FFB, v23;
	v24 =	vsel vm5, $0x6FFB, v24  }
0x6b: {  	v25 =	vsel vm5, $0xFFC, v25;
	v26 =	vsel vm5, $0x2FFC, v26;
	v27 =	vsel vm5, $0x4FFC, v27  }
0x6c: {  	v28 =	vsel vm5, $0x6FFC, v28;
	v29 =	vsel vm5, $0xFFD, v29;
	v30 =	vsel vm5, $0x2FFD, v30  }
0x6d: {  	v31 =	vsel vm5, $0x4FFD, v31;
	v32 =	vsel vm5, $0x6FFD, v32;
	v33 =	vsel vm5, $0xFFE, v33  }
0x6e: {  	v34 =	vsel vm5, $0x2FFE, v34;
	v35 =	vsel vm5, $0x4FFE, v35;
	v36 =	vsel vm5, $0x6FFE, v36  }
0x6f: {  	v37 =	vsel vm5, $0xFFF, v37;
	v38 =	vsel vm5, $0x2FFF, v38;
	v39 =	vsel vm5, $0x4FFF, v39  }
0x70: {  	v40 =	vsel vm5, $0x6FFF, v40;
	v3 =	vsel vm14, $0x2000, v3;
	v2 =	vsel vm0, $0x1000, v2  }
0x71: {  	v4 =	vsel vm0, $0x5000, v4;
	v7 =	vor.u32 $0x1800, v1;
	v8 =	vsel vm0, $0x7000, v8  }
0x72: {  	v9 =	vsel vm0, $0x1C78, v9;
	v10 =	vsel vm0, $0x3C78, v10;
	v11 =	vsel vm0, $0x5C78, v11  }
0x73: {  	v12 =	vsel vm0, $0x7C78, v12;
	v13 =	vsel vm0, $0x1C79, v13;
	v14 =	vsel vm0, $0x3C79, v14  }
0x74: {  	v15 =	vsel vm0, $0x5C79, v15;
	v16 =	vsel vm0, $0x7C79, v16;
	v17 =	vsel vm0, $0x1C7A, v17  }
0x75: {  	v18 =	vsel vm0, $0x3C7A, v18;
	v19 =	vsel vm0, $0x5C7A, v19;
	v20 =	vsel vm0, $0x7C7A, v20  }
0x76: {  	v21 =	vsel vm0, $0x1C7B, v21;
	v22 =	vsel vm0, $0x3C7B, v22;
	v23 =	vsel vm0, $0x5C7B, v23  }
0x77: {  	v24 =	vsel vm0, $0x7C7B, v24;
	v25 =	vsel vm0, $0x1C7C, v25;
	v26 =	vsel vm0, $0x3C7C, v26  }
0x78: {  	v27 =	vsel vm0, $0x5C7C, v27;
	v28 =	vsel vm0, $0x7C7C, v28;
	v29 =	vsel vm0, $0x1C7D, v29  }
0x79: {  	v30 =	vsel vm0, $0x3C7D, v30;
	v31 =	vsel vm0, $0x5C7D, v31;
	v32 =	vsel vm0, $0x7C7D, v32  }
0x7a: {  	v33 =	vsel vm0, $0x1C7E, v33;
	v34 =	vsel vm0, $0x3C7E, v34;
	v35 =	vsel vm0, $0x5C7E, v35  }
0x7b: {  	v36 =	vsel vm0, $0x7C7E, v36;
	v37 =	vsel vm0, $0x1C7F, v37;
	v38 =	vsel vm0, $0x3C7F, v38  }
0x7c: {  	v39 =	vsel vm0, $0x5C7F, v39;
	v40 =	vsel vm0, $0x7C7F, v40;
	v3 =	vsel vm13, $0x2080, v3  }
0x7d: {  	v2 =	vsel vm1, $0x1080, v2;
	v4 =	vsel vm1, $0x5080, v4;
	v8 =	vsel vm1, $0x7080, v8  }
0x7e: {  	v9 =	vsel vm1, $0x1CF8, v9;
	v10 =	vsel vm1, $0x3CF8, v10;
	v11 =	vsel vm1, $0x5CF8, v11  }
0x7f: {  	v12 =	vsel vm1, $0x7CF8, v12;
	v13 =	vsel vm1, $0x1CF9, v13;
	v14 =	vsel vm1, $0x3CF9, v14  }
0x80: {  	v15 =	vsel vm1, $0x5CF9, v15;
	v16 =	vsel vm1, $0x7CF9, v16;
	v17 =	vsel vm1, $0x1CFA, v17  }
0x81: {  	v18 =	vsel vm1, $0x3CFA, v18;
	v19 =	vsel vm1, $0x5CFA, v19;
	v20 =	vsel vm1, $0x7CFA, v20  }
0x82: {  	v21 =	vsel vm1, $0x1CFB, v21;
	v22 =	vsel vm1, $0x3CFB, v22;
	v23 =	vsel vm1, $0x5CFB, v23  }
0x83: {  	v24 =	vsel vm1, $0x7CFB, v24;
	v25 =	vsel vm1, $0x1CFC, v25;
	v26 =	vsel vm1, $0x3CFC, v26  }
0x84: {  	v27 =	vsel vm1, $0x5CFC, v27;
	v28 =	vsel vm1, $0x7CFC, v28;
	v29 =	vsel vm1, $0x1CFD, v29  }
0x85: {  	v30 =	vsel vm1, $0x3CFD, v30;
	v31 =	vsel vm1, $0x5CFD, v31;
	v32 =	vsel vm1, $0x7CFD, v32  }
0x86: {  	v33 =	vsel vm1, $0x1CFE, v33;
	v34 =	vsel vm1, $0x3CFE, v34;
	v35 =	vsel vm1, $0x5CFE, v35  }
0x87: {  	v36 =	vsel vm1, $0x7CFE, v36;
	v37 =	vsel vm1, $0x1CFF, v37;
	v38 =	vsel vm1, $0x3CFF, v38  }
0x88: {  	v39 =	vsel vm1, $0x5CFF, v39;
	v40 =	vsel vm1, $0x7CFF, v40;
	v3 =	vsel vm12, $0x2100, v3  }
0x89: {  	v2 =	vsel vm2, $0x1100, v2;
	v4 =	vsel vm2, $0x5100, v4;
	v8 =	vsel vm2, $0x7100, v8  }
0x8a: {  	v9 =	vsel vm2, $0x1D78, v9;
	v10 =	vsel vm2, $0x3D78, v10;
	v11 =	vsel vm2, $0x5D78, v11  }
0x8b: {  	v12 =	vsel vm2, $0x7D78, v12;
	v13 =	vsel vm2, $0x1D79, v13;
	v14 =	vsel vm2, $0x3D79, v14  }
0x8c: {  	v15 =	vsel vm2, $0x5D79, v15;
	v16 =	vsel vm2, $0x7D79, v16;
	v17 =	vsel vm2, $0x1D7A, v17  }
0x8d: {  	v18 =	vsel vm2, $0x3D7A, v18;
	v19 =	vsel vm2, $0x5D7A, v19;
	v20 =	vsel vm2, $0x7D7A, v20  }
0x8e: {  	v21 =	vsel vm2, $0x1D7B, v21;
	v22 =	vsel vm2, $0x3D7B, v22;
	v23 =	vsel vm2, $0x5D7B, v23  }
0x8f: {  	v24 =	vsel vm2, $0x7D7B, v24;
	v25 =	vsel vm2, $0x1D7C, v25;
	v26 =	vsel vm2, $0x3D7C, v26  }
0x90: {  	v27 =	vsel vm2, $0x5D7C, v27;
	v28 =	vsel vm2, $0x7D7C, v28;
	v29 =	vsel vm2, $0x1D7D, v29  }
0x91: {  	v30 =	vsel vm2, $0x3D7D, v30;
	v31 =	vsel vm2, $0x5D7D, v31;
	v32 =	vsel vm2, $0x7D7D, v32  }
0x92: {  	v33 =	vsel vm2, $0x1D7E, v33;
	v34 =	vsel vm2, $0x3D7E, v34;
	v35 =	vsel vm2, $0x5D7E, v35  }
0x93: {  	v36 =	vsel vm2, $0x7D7E, v36;
	v37 =	vsel vm2, $0x1D7F, v37;
	v38 =	vsel vm2, $0x3D7F, v38  }
0x94: {  	v39 =	vsel vm2, $0x5D7F, v39;
	v40 =	vsel vm2, $0x7D7F, v40;
	v3 =	vsel vm11, $0x2180, v3  }
0x95: {  	v2 =	vsel vm3, $0x1180, v2;
	v4 =	vsel vm3, $0x5180, v4;
	v8 =	vsel vm3, $0x7180, v8  }
0x96: {  	v9 =	vsel vm3, $0x1DF8, v9;
	v10 =	vsel vm3, $0x3DF8, v10;
	v11 =	vsel vm3, $0x5DF8, v11  }
0x97: {  	v12 =	vsel vm3, $0x7DF8, v12;
	v13 =	vsel vm3, $0x1DF9, v13;
	v14 =	vsel vm3, $0x3DF9, v14  }
0x98: {  	v15 =	vsel vm3, $0x5DF9, v15;
	v16 =	vsel vm3, $0x7DF9, v16;
	v17 =	vsel vm3, $0x1DFA, v17  }
0x99: {  	v18 =	vsel vm3, $0x3DFA, v18;
	v19 =	vsel vm3, $0x5DFA, v19;
	v20 =	vsel vm3, $0x7DFA, v20  }
0x9a: {  	v21 =	vsel vm3, $0x1DFB, v21;
	v22 =	vsel vm3, $0x3DFB, v22;
	v23 =	vsel vm3, $0x5DFB, v23  }
0x9b: {  	v24 =	vsel vm3, $0x7DFB, v24;
	v25 =	vsel vm3, $0x1DFC, v25;
	v26 =	vsel vm3, $0x3DFC, v26  }
0x9c: {  	v27 =	vsel vm3, $0x5DFC, v27;
	v28 =	vsel vm3, $0x7DFC, v28;
	v29 =	vsel vm3, $0x1DFD, v29  }
0x9d: {  	v30 =	vsel vm3, $0x3DFD, v30;
	v31 =	vsel vm3, $0x5DFD, v31;
	v32 =	vsel vm3, $0x7DFD, v32  }
0x9e: {  	v33 =	vsel vm3, $0x1DFE, v33;
	v34 =	vsel vm3, $0x3DFE, v34;
	v35 =	vsel vm3, $0x5DFE, v35  }
0x9f: {  	v36 =	vsel vm3, $0x7DFE, v36;
	v37 =	vsel vm3, $0x1DFF, v37;
	v38 =	vsel vm3, $0x3DFF, v38  }
0xa0: {  	v39 =	vsel vm3, $0x5DFF, v39;
	v40 =	vsel vm3, $0x7DFF, v40;
	v3 =	vsel vm10, $0x2200, v3  }
0xa1: {  	v2 =	vsel vm4, $0x1200, v2;
	v6 =	vsel vm4, $0x5200, v4;
	v8 =	vsel vm4, $0x7200, v8  }
0xa2: {  	v9 =	vsel vm4, $0x1E78, v9;
	v10 =	vsel vm4, $0x3E78, v10;
	v11 =	vsel vm4, $0x5E78, v11  }
0xa3: {  	v12 =	vsel vm4, $0x7E78, v12;
	v13 =	vsel vm4, $0x1E79, v13;
	v14 =	vsel vm4, $0x3E79, v14  }
0xa4: {  	v15 =	vsel vm4, $0x5E79, v15;
	v16 =	vsel vm4, $0x7E79, v16;
	v17 =	vsel vm4, $0x1E7A, v17  }
0xa5: {  	v18 =	vsel vm4, $0x3E7A, v18;
	v19 =	vsel vm4, $0x5E7A, v19;
	v20 =	vsel vm4, $0x7E7A, v20  }
0xa6: {  	v21 =	vsel vm4, $0x1E7B, v21;
	v22 =	vsel vm4, $0x3E7B, v22;
	v23 =	vsel vm4, $0x5E7B, v23  }
0xa7: {  	v24 =	vsel vm4, $0x7E7B, v24;
	v25 =	vsel vm4, $0x1E7C, v25;
	v26 =	vsel vm4, $0x3E7C, v26  }
0xa8: {  	v27 =	vsel vm4, $0x5E7C, v27;
	v28 =	vsel vm4, $0x7E7C, v28;
	v29 =	vsel vm4, $0x1E7D, v29  }
0xa9: {  	v30 =	vsel vm4, $0x3E7D, v30;
	v31 =	vsel vm4, $0x5E7D, v31;
	v32 =	vsel vm4, $0x7E7D, v32  }
0xaa: {  	v33 =	vsel vm4, $0x1E7E, v33;
	v34 =	vsel vm4, $0x3E7E, v34;
	v35 =	vsel vm4, $0x5E7E, v35  }
0xab: {  	v36 =	vsel vm4, $0x7E7E, v36;
	v37 =	vsel vm4, $0x1E7F, v37;
	v38 =	vsel vm4, $0x3E7F, v38  }
0xac: {  	v39 =	vsel vm4, $0x5E7F, v39;
	v40 =	vsel vm4, $0x7E7F, v40;
	v3 =	vsel vm9, $0x2280, v3  }
0xad: {  	v2 =	vsel vm6, $0x1280, v2;
	v6 =	vsel vm6, $0x5280, v6;
	v8 =	vsel vm6, $0x7280, v8  }
0xae: {  	v9 =	vsel vm6, $0x1EF8, v9;
	v10 =	vsel vm6, $0x3EF8, v10;
	v11 =	vsel vm6, $0x5EF8, v11  }
0xaf: {  	v12 =	vsel vm6, $0x7EF8, v12;
	v13 =	vsel vm6, $0x1EF9, v13;
	v14 =	vsel vm6, $0x3EF9, v14  }
0xb0: {  	v15 =	vsel vm6, $0x5EF9, v15;
	v16 =	vsel vm6, $0x7EF9, v16;
	v17 =	vsel vm6, $0x1EFA, v17  }
0xb1: {  	v18 =	vsel vm6, $0x3EFA, v18;
	v19 =	vsel vm6, $0x5EFA, v19;
	v20 =	vsel vm6, $0x7EFA, v20  }
0xb2: {  	v21 =	vsel vm6, $0x1EFB, v21;
	v22 =	vsel vm6, $0x3EFB, v22;
	v23 =	vsel vm6, $0x5EFB, v23  }
0xb3: {  	v24 =	vsel vm6, $0x7EFB, v24;
	v25 =	vsel vm6, $0x1EFC, v25;
	v26 =	vsel vm6, $0x3EFC, v26  }
0xb4: {  	v27 =	vsel vm6, $0x5EFC, v27;
	v28 =	vsel vm6, $0x7EFC, v28;
	v29 =	vsel vm6, $0x1EFD, v29  }
0xb5: {  	v30 =	vsel vm6, $0x3EFD, v30;
	v31 =	vsel vm6, $0x5EFD, v31;
	v32 =	vsel vm6, $0x7EFD, v32  }
0xb6: {  	v33 =	vsel vm6, $0x1EFE, v33;
	v34 =	vsel vm6, $0x3EFE, v34;
	v35 =	vsel vm6, $0x5EFE, v35  }
0xb7: {  	v36 =	vsel vm6, $0x7EFE, v36;
	v37 =	vsel vm6, $0x1EFF, v37;
	v38 =	vsel vm6, $0x3EFF, v38  }
0xb8: {  	s0 =	rddreg [dreg:$0x0];
	v39 =	vsel vm6, $0x5EFF, v39;
	v40 =	vsel vm6, $0x7EFF, v40;
	v3 =	vsel vm8, $0x2300, v3  }
0xb9: {  	s1 =	rddreg [dreg:$0x1];
	v2 =	vsel vm7, $0x1300, v2;
	v6 =	vsel vm7, $0x5300, v6;
	v8 =	vsel vm7, $0x7300, v8  }
0xba: {  	s2 =	srdreg.scid;
	s5 =	rddreg [dreg:$0x2];
	v9 =	vsel vm7, $0x1F78, v9;
	v10 =	vsel vm7, $0x3F78, v10;
	v11 =	vsel vm7, $0x5F78, v11  }
0xbb: {  	s3 =	stileid.u32;
	s28 =	simm.s32 $0x0;
	s9 =	simm.s32 $0x7A1400;
	v12 =	vsel vm7, $0x7F78, v12;
	v13 =	vsel vm7, $0x1F79, v13;
	v14 =	vsel vm7, $0x3F79, v14  }
0xbc: {  	s8 =	simm.s32 $0x400;
	s10 =	simm.s32 $0x280;
	s11 =	simm.s32 $0x2280;
	v15 =	vsel vm7, $0x5F79, v15;
	v16 =	vsel vm7, $0x7F79, v16;
	v17 =	vsel vm7, $0x1F7A, v17  }
0xbd: {  	s12 =	simm.s32 $0x4280;
	s13 =	simm.s32 $0x6280;
	s14 =	simm.s32 $0x8280;
	v18 =	vsel vm7, $0x3F7A, v18;
	v19 =	vsel vm7, $0x5F7A, v19;
	v20 =	vsel vm7, $0x7F7A, v20  }
0xbe: {  	s15 =	simm.s32 $0xA280;
	s16 =	simm.s32 $0xC280;
	s17 =	simm.s32 $0xE280;
	v21 =	vsel vm7, $0x1F7B, v21;
	v22 =	vsel vm7, $0x3F7B, v22;
	v23 =	vsel vm7, $0x5F7B, v23  }
0xbf: {  	s18 =	simm.s32 $0x2;
	s19 =	simm.s32 $0x10280;
	s20 =	simm.s32 $0x3;
	v24 =	vsel vm7, $0x7F7B, v24;
	v25 =	vsel vm7, $0x1F7C, v25;
	v26 =	vsel vm7, $0x3F7C, v26  }
0xc0: {  	s21 =	simm.s32 $0x4;
	s22 =	simm.s32 $0x5;
	s23 =	simm.s32 $0x6;
	v27 =	vsel vm7, $0x5F7C, v27;
	v28 =	vsel vm7, $0x7F7C, v28;
	v3 =	vsel vm5, $0x2380, v3  }
0xc1: {  	s24 =	simm.s32 $0x7;
	s25 =	simm.s32 $0x8;
	s26 =	simm.s32 $0x9;
	v29 =	vsel vm7, $0x1F7D, v29;
	v30 =	vsel vm7, $0x3F7D, v30;
	v3 =	vsel vm0, $0x3000, v3  }
0xc2: {  	s29 =	simm.s32 $0x20000;
	s30 =	simm.s32 $0xA;
	s2 =	sand.u32 $0x1, s2;
	v31 =	vsel vm7, $0x5F7D, v31;
	v32 =	vsel vm7, $0x7F7D, v32;
	v3 =	vsel vm1, $0x3080, v3  }
0xc3: {  	s31 =	simm.s32 $0x0;
	s4 =	sshll.u32 s3, $0xA;
	s6 =	sshll.u32 s2, $0x9;
	v33 =	vsel vm7, $0x1F7E, v33;
	v34 =	vsel vm7, $0x3F7E, v34;
	v3 =	vsel vm2, $0x3100, v3  }
0xc4: {  	[smem:$0x7FF] =	sst s28;
	s2 =	ssub.s32 $0x2, s2;
	s6 =	sor.u32 s6, s4;
	v35 =	vsel vm7, $0x5F7E, v35;
	v36 =	vsel vm7, $0x7F7E, v36;
	v3 =	vsel vm3, $0x3180, v3  }
0xc5: {  	_ =	strace $0x80000047;
	s7 =	sshrl.u32 s2, $0x1;
	s4 =	sshrl.u32 s6, $0x3;
	v37 =	vsel vm7, $0x1F7F, v37;
	v38 =	vsel vm7, $0x3F7F, v38;
	v3 =	vsel vm4, $0x3200, v3  }
0xc6: {  	s2 =	ssub.s32 s2, s7;
	s5 =	sadd.s32 s5, s6;
	s1 =	sadd.s32 s4, s1;
	v39 =	vsel vm7, $0x5F7F, v39;
	v40 =	vsel vm7, $0x7F7F, v40;
	v5 =	vsel vm6, $0x3280, v3  }
0xc7: {  	s7 =	simm.s32 $0x1;
	s6 =	smax.u32 s2, $0x1;
	s4 =	sadd.s32 $0x400, s1;
	v3 =	vor.u32 $0x800, v1;
	v4 =	vsel vm7, $0x3300, v5;
	v5 =	vor.u32 $0x1000, v1  }
.LBB2_1:
0xc8: {  	s1 =	simm.s32 $0x0  }
0xc9: {  	[tilespmem:s1], [sflag:$0x1] =	stream.linear.gather [hbm4b:s4+s1], $0x200, $0x38;
	[tilespmem:$0x18280] =	vst v63  }
0xca: {  	_ =	swait.ge [sflag:s7], $0x200  }
0xcb: {  	[sflag:s7] =	ssyncset.done $0x0  }
0xcc: {  	[sflag:s7] =	ssyncadd.s32 $0xFFFFFE00  }
0xcd: {  	v41 =	vld [tilespmem:$0x0];
	_ =	sdelay $0x4  }
0xce: {  	(v2sf) =	vpush v41, $0x0;
	_ =	sdelay $0xe  }
0xcf: {  	s3 =	spop (v2sf)  }
0xd0: {  	s1 =	sand.u32 $0xFFFFF80, s3  }
0xd1: {  	[tilespmem:$0x200] =	vst v0;
	s1 =	sadd.s32 s0, s1  }
0xd2: {  	[tilespmem:s10], [sflag:$0x2] =	stream.strided.gather [hbm4b:s1+s8], $0x2000, s9, s8, $0x38;
	[tilespmem:$0x18280] =	vst v63  }
0xd3: {  	v57 =	vld [tilespmem:$0x1];
	_ =	sdelay $0x4  }
0xd4: {  	(v2sf) =	vpush v57, $0x0;
	_ =	sdelay $0xe  }
0xd5: {  	s28 =	spop (v2sf)  }
0xd6: {  	s1 =	sand.u32 $0xFFFFF80, s28  }
0xd7: {  	s1 =	sadd.s32 s0, s1  }
0xd8: {  	[tilespmem:s11], [sflag:$0x3] =	stream.strided.gather [hbm4b:s1+s8], $0x2000, s9, s8, $0x38;
	[tilespmem:$0x18280] =	vst v63  }
0xd9: {  	v58 =	vld [tilespmem:$0x2];
	_ =	sdelay $0x4  }
0xda: {  	(v2sf) =	vpush v58, $0x0;
	_ =	sdelay $0xe  }
0xdb: {  	s2 =	spop (v2sf)  }
0xdc: {  	s1 =	sand.u32 $0xFFFFF80, s2  }
0xdd: {  	s1 =	sadd.s32 s0, s1  }
0xde: {  	[tilespmem:s12], [sflag:$0x4] =	stream.strided.gather [hbm4b:s1+s8], $0x2000, s9, s8, $0x38;
	[tilespmem:$0x18280] =	vst v63  }
0xdf: {  	v59 =	vld [tilespmem:$0x3];
	_ =	sdelay $0x4  }
0xe0: {  	(v2sf) =	vpush v59, $0x0;
	_ =	sdelay $0xe  }
0xe1: {  	s3 =	spop (v2sf)  }
0xe2: {  	s1 =	sand.u32 $0xFFFFF80, s3  }
0xe3: {  	s1 =	sadd.s32 s0, s1  }
0xe4: {  	[tilespmem:s13], [sflag:$0x5] =	stream.strided.gather [hbm4b:s1+s8], $0x2000, s9, s8, $0x38;
	[tilespmem:$0x18280] =	vst v63  }
0xe5: {  	v60 =	vld [tilespmem:$0x4];
	_ =	sdelay $0x4  }
0xe6: {  	(v2sf) =	vpush v60, $0x0;
	_ =	sdelay $0xe  }
0xe7: {  	s28 =	spop (v2sf)  }
0xe8: {  	s1 =	sand.u32 $0xFFFFF80, s28  }
0xe9: {  	s1 =	sadd.s32 s0, s1  }
0xea: {  	[tilespmem:s14], [sflag:$0x6] =	stream.strided.gather [hbm4b:s1+s8], $0x2000, s9, s8, $0x38;
	[tilespmem:$0x18280] =	vst v63  }
0xeb: {  	v61 =	vld [tilespmem:$0x5];
	_ =	sdelay $0x4  }
0xec: {  	(v2sf) =	vpush v61, $0x0;
	_ =	sdelay $0xe  }
0xed: {  	s2 =	spop (v2sf)  }
0xee: {  	s1 =	sand.u32 $0xFFFFF80, s2  }
0xef: {  	s1 =	sadd.s32 s0, s1  }
0xf0: {  	[tilespmem:s15], [sflag:$0x7] =	stream.strided.gather [hbm4b:s1+s8], $0x2000, s9, s8, $0x38;
	[tilespmem:$0x18280] =	vst v63  }
0xf1: {  	v62 =	vld [tilespmem:$0x6];
	_ =	sdelay $0x4  }
0xf2: {  	(v2sf) =	vpush v62, $0x0;
	_ =	sdelay $0xe  }
0xf3: {  	s3 =	spop (v2sf)  }
0xf4: {  	s1 =	sand.u32 $0xFFFFF80, s3  }
0xf5: {  	s1 =	sadd.s32 s0, s1  }
0xf6: {  	[tilespmem:s16], [sflag:$0x8] =	stream.strided.gather [hbm4b:s1+s8], $0x2000, s9, s8, $0x38;
	[tilespmem:$0x18280] =	vst v63  }
0xf7: {  	v63 =	vld [tilespmem:$0x7];
	_ =	sdelay $0x4  }
0xf8: {  	(v2sf) =	vpush v63, $0x0;
	_ =	sdelay $0xe  }
0xf9: {  	s28 =	spop (v2sf)  }
0xfa: {  	s1 =	sand.u32 $0xFFFFF80, s28  }
0xfb: {  	s1 =	sadd.s32 s0, s1  }
0xfc: {  	[tilespmem:s17], [sflag:$0x9] =	stream.strided.gather [hbm4b:s1+s8], $0x2000, s9, s8, $0x38;
	[tilespmem:$0x18280] =	vst v63  }
0xfd: {  	s2 =	simm.s32 $0x8;
	s1 =	simm.s32 $0x7  }
.LBB2_2:
0xfe: {  	_ =	swait.ge [sflag:s18], $0x2000  }
0xff: {  	[sflag:s18] =	ssyncset.done $0x0  }
0x100: {  	[sflag:s18] =	ssyncadd.s32 $0xFFFFE000  }
0x101: {  	v41 =	vld [tilespmem:s2+$0xFFFFFFF8];
	_ =	sdelay $0x4  }
0x102: {  	(v2sf) =	vpush v41, $0x0;
	_ =	sdelay $0xe  }
0x103: {  	s3 =	spop (v2sf)  }
0x104: {  	s3 =	sand.u32 $0x7F, s3  }
0x105: {  	s28 =	sadd.s32 $0xFFFFFFF9, s1;
	v50 =	vor.u32 s3, v1  }
0x106: {  	v42 =	vmov s28  }
0x107: {  	v43 =	vshll.u32 v42, $0x3  }
0x108: {  	v42 =	vand.u32 $0x78, v42;
	v43 =	vand.u32 $0xC00, v43  }
0x109: {  	v42 =	vor.u32 v42, v43  }
0x10a: {  	v43 =	vor.u32 v2, v42;
	v41 =	vld.idx.msk [tilespmem:v50+s10+$0x0], $0xffff  }
0x10b: {  	v44 =	vor.u32 s3, v3;
	_ =	sdelay $0x3  }
0x10c: {  	[tilespmem:v43+s19+$0x0] =	vst.idx.msk $0xffff, v41  }
0x10d: {  	v51 =	vor.u32 v4, v42;
	v41 =	vld.idx.msk [tilespmem:v44+s10+$0x0], $0xffff  }
0x10e: {  	v52 =	vor.u32 s3, v5;
	_ =	sdelay $0x3  }
0x10f: {  	[tilespmem:v51+s19+$0x0] =	vst.idx.msk $0xffff, v41  }
0x110: {  	v53 =	vor.u32 v6, v42;
	v41 =	vld.idx.msk [tilespmem:v52+s10+$0x0], $0xffff  }
0x111: {  	v54 =	vor.u32 s3, v7;
	_ =	sdelay $0x3  }
0x112: {  	[tilespmem:v53+s19+$0x0] =	vst.idx.msk $0xffff, v41  }
0x113: {  	v42 =	vor.u32 v8, v42;
	v41 =	vld.idx.msk [tilespmem:v54+s10+$0x0], $0xffff;
	_ =	sdelay $0x4  }
0x114: {  	[tilespmem:v42+s19+$0x0] =	vst.idx.msk $0xffff, v41  }
0x115: {  	v41 =	vld [tilespmem:s2+$0x0];
	_ =	sdelay $0x4  }
0x116: {  	(v2sf) =	vpush v41, $0x0;
	_ =	sdelay $0xe  }
0x117: {  	s28 =	spop (v2sf)  }
0x118: {  	s3 =	sand.u32 $0xFFFFF80, s28  }
0x119: {  	s3 =	sadd.s32 s0, s3  }
0x11a: {  	[tilespmem:s10], [sflag:$0x2] =	stream.strided.gather [hbm4b:s3+s8], $0x2000, s9, s8, $0x38;
	[tilespmem:$0x18280] =	vst v63  }
0x11b: {  	_ =	swait.ge [sflag:s20], $0x2000  }
0x11c: {  	[sflag:s20] =	ssyncset.done $0x0  }
0x11d: {  	[sflag:s20] =	ssyncadd.s32 $0xFFFFE000  }
0x11e: {  	v55 =	vld [tilespmem:s2+$0xFFFFFFF9];
	_ =	sdelay $0x4  }
0x11f: {  	(v2sf) =	vpush v55, $0x0;
	_ =	sdelay $0xe  }
0x120: {  	s28 =	spop (v2sf)  }
0x121: {  	s3 =	sand.u32 $0x7F, s28  }
0x122: {  	s28 =	sadd.s32 $0xFFFFFFFA, s1;
	v56 =	vor.u32 s3, v1  }
0x123: {  	v57 =	vmov s28  }
0x124: {  	v58 =	vshll.u32 v57, $0x3  }
0x125: {  	v42 =	vand.u32 $0x79, v57;
	v43 =	vand.u32 $0xC00, v58  }
0x126: {  	v42 =	vor.u32 v42, v43  }
0x127: {  	v43 =	vor.u32 v2, v42;
	v41 =	vld.idx.msk [tilespmem:v56+s11+$0x0], $0xffff  }
0x128: {  	v59 =	vor.u32 s3, v3;
	_ =	sdelay $0x3  }
0x129: {  	[tilespmem:v43+s19+$0x0] =	vst.idx.msk $0xffff, v41  }
0x12a: {  	v60 =	vor.u32 v4, v42;
	v41 =	vld.idx.msk [tilespmem:v59+s11+$0x0], $0xffff  }
0x12b: {  	v61 =	vor.u32 s3, v5;
	_ =	sdelay $0x3  }
0x12c: {  	[tilespmem:v60+s19+$0x0] =	vst.idx.msk $0xffff, v41  }
0x12d: {  	v62 =	vor.u32 v6, v42;
	v41 =	vld.idx.msk [tilespmem:v61+s11+$0x0], $0xffff  }
0x12e: {  	v63 =	vor.u32 s3, v7;
	_ =	sdelay $0x3  }
0x12f: {  	[tilespmem:v62+s19+$0x0] =	vst.idx.msk $0xffff, v41  }
0x130: {  	v42 =	vor.u32 v8, v42;
	v41 =	vld.idx.msk [tilespmem:v63+s11+$0x0], $0xffff;
	_ =	sdelay $0x4  }
0x131: {  	[tilespmem:v42+s19+$0x0] =	vst.idx.msk $0xffff, v41  }
0x132: {  	v41 =	vld [tilespmem:s2+$0x1];
	_ =	sdelay $0x4  }
0x133: {  	(v2sf) =	vpush v41, $0x0;
	_ =	sdelay $0xe  }
0x134: {  	s28 =	spop (v2sf)  }
0x135: {  	s3 =	sand.u32 $0xFFFFF80, s28  }
0x136: {  	s3 =	sadd.s32 s0, s3  }
0x137: {  	[tilespmem:s11], [sflag:$0x3] =	stream.strided.gather [hbm4b:s3+s8], $0x2000, s9, s8, $0x38;
	[tilespmem:$0x18280] =	vst v63  }
0x138: {  	_ =	swait.ge [sflag:s21], $0x2000  }
0x139: {  	[sflag:s21] =	ssyncset.done $0x0  }
0x13a: {  	[sflag:s21] =	ssyncadd.s32 $0xFFFFE000  }
0x13b: {  	v46 =	vld [tilespmem:s2+$0xFFFFFFFA];
	_ =	sdelay $0x4  }
0x13c: {  	(v2sf) =	vpush v46, $0x0;
	_ =	sdelay $0xe  }
0x13d: {  	s28 =	spop (v2sf)  }
0x13e: {  	s3 =	sand.u32 $0x7F, s28  }
0x13f: {  	s28 =	sadd.s32 $0xFFFFFFFB, s1;
	v47 =	vor.u32 s3, v1  }
0x140: {  	v48 =	vmov s28  }
0x141: {  	v49 =	vshll.u32 v48, $0x3  }
0x142: {  	v42 =	vand.u32 $0x7A, v48;
	v43 =	vand.u32 $0xC00, v49  }
0x143: {  	v42 =	vor.u32 v42, v43  }
0x144: {  	v43 =	vor.u32 v2, v42;
	v41 =	vld.idx.msk [tilespmem:v47+s12+$0x0], $0xffff  }
0x145: {  	v50 =	vor.u32 s3, v3;
	_ =	sdelay $0x3  }
0x146: {  	[tilespmem:v43+s19+$0x0] =	vst.idx.msk $0xffff, v41  }
0x147: {  	v51 =	vor.u32 v4, v42;
	v41 =	vld.idx.msk [tilespmem:v50+s12+$0x0], $0xffff  }
0x148: {  	v52 =	vor.u32 s3, v5;
	_ =	sdelay $0x3  }
0x149: {  	[tilespmem:v51+s19+$0x0] =	vst.idx.msk $0xffff, v41  }
0x14a: {  	v53 =	vor.u32 v6, v42;
	v41 =	vld.idx.msk [tilespmem:v52+s12+$0x0], $0xffff  }
0x14b: {  	v54 =	vor.u32 s3, v7;
	_ =	sdelay $0x3  }
0x14c: {  	[tilespmem:v53+s19+$0x0] =	vst.idx.msk $0xffff, v41  }
0x14d: {  	v42 =	vor.u32 v8, v42;
	v41 =	vld.idx.msk [tilespmem:v54+s12+$0x0], $0xffff;
	_ =	sdelay $0x4  }
0x14e: {  	[tilespmem:v42+s19+$0x0] =	vst.idx.msk $0xffff, v41  }
0x14f: {  	v41 =	vld [tilespmem:s2+$0x2];
	_ =	sdelay $0x4  }
0x150: {  	(v2sf) =	vpush v41, $0x0;
	_ =	sdelay $0xe  }
0x151: {  	s28 =	spop (v2sf)  }
0x152: {  	s3 =	sand.u32 $0xFFFFF80, s28  }
0x153: {  	s3 =	sadd.s32 s0, s3  }
0x154: {  	[tilespmem:s12], [sflag:$0x4] =	stream.strided.gather [hbm4b:s3+s8], $0x2000, s9, s8, $0x38;
	[tilespmem:$0x18280] =	vst v63  }
0x155: {  	_ =	swait.ge [sflag:s22], $0x2000  }
0x156: {  	[sflag:s22] =	ssyncset.done $0x0  }
0x157: {  	[sflag:s22] =	ssyncadd.s32 $0xFFFFE000  }
0x158: {  	v55 =	vld [tilespmem:s2+$0xFFFFFFFB];
	_ =	sdelay $0x4  }
0x159: {  	(v2sf) =	vpush v55, $0x0;
	_ =	sdelay $0xe  }
0x15a: {  	s28 =	spop (v2sf)  }
0x15b: {  	s3 =	sand.u32 $0x7F, s28  }
0x15c: {  	s28 =	sadd.s32 $0xFFFFFFFC, s1;
	v56 =	vor.u32 s3, v1  }
0x15d: {  	v57 =	vmov s28  }
0x15e: {  	v58 =	vshll.u32 v57, $0x3  }
0x15f: {  	v42 =	vand.u32 $0x7B, v57;
	v43 =	vand.u32 $0xC00, v58  }
0x160: {  	v42 =	vor.u32 v42, v43  }
0x161: {  	v43 =	vor.u32 v2, v42;
	v41 =	vld.idx.msk [tilespmem:v56+s13+$0x0], $0xffff  }
0x162: {  	v59 =	vor.u32 s3, v3;
	_ =	sdelay $0x3  }
0x163: {  	[tilespmem:v43+s19+$0x0] =	vst.idx.msk $0xffff, v41  }
0x164: {  	v60 =	vor.u32 v4, v42;
	v41 =	vld.idx.msk [tilespmem:v59+s13+$0x0], $0xffff  }
0x165: {  	v61 =	vor.u32 s3, v5;
	_ =	sdelay $0x3  }
0x166: {  	[tilespmem:v60+s19+$0x0] =	vst.idx.msk $0xffff, v41  }
0x167: {  	v62 =	vor.u32 v6, v42;
	v41 =	vld.idx.msk [tilespmem:v61+s13+$0x0], $0xffff  }
0x168: {  	v63 =	vor.u32 s3, v7;
	_ =	sdelay $0x3  }
0x169: {  	[tilespmem:v62+s19+$0x0] =	vst.idx.msk $0xffff, v41  }
0x16a: {  	v42 =	vor.u32 v8, v42;
	v41 =	vld.idx.msk [tilespmem:v63+s13+$0x0], $0xffff;
	_ =	sdelay $0x4  }
0x16b: {  	[tilespmem:v42+s19+$0x0] =	vst.idx.msk $0xffff, v41  }
0x16c: {  	v41 =	vld [tilespmem:s2+$0x3];
	_ =	sdelay $0x4  }
0x16d: {  	(v2sf) =	vpush v41, $0x0;
	_ =	sdelay $0xe  }
0x16e: {  	s28 =	spop (v2sf)  }
0x16f: {  	s3 =	sand.u32 $0xFFFFF80, s28  }
0x170: {  	s3 =	sadd.s32 s0, s3  }
0x171: {  	[tilespmem:s13], [sflag:$0x5] =	stream.strided.gather [hbm4b:s3+s8], $0x2000, s9, s8, $0x38;
	[tilespmem:$0x18280] =	vst v63  }
0x172: {  	_ =	swait.ge [sflag:s23], $0x2000  }
0x173: {  	[sflag:s23] =	ssyncset.done $0x0  }
0x174: {  	[sflag:s23] =	ssyncadd.s32 $0xFFFFE000  }
0x175: {  	v46 =	vld [tilespmem:s2+$0xFFFFFFFC];
	_ =	sdelay $0x4  }
0x176: {  	(v2sf) =	vpush v46, $0x0;
	_ =	sdelay $0xe  }
0x177: {  	s28 =	spop (v2sf)  }
0x178: {  	s3 =	sand.u32 $0x7F, s28  }
0x179: {  	s28 =	sadd.s32 $0xFFFFFFFD, s1;
	v47 =	vor.u32 s3, v1  }
0x17a: {  	v48 =	vmov s28  }
0x17b: {  	v49 =	vshll.u32 v48, $0x3  }
0x17c: {  	v42 =	vand.u32 $0x7C, v48;
	v43 =	vand.u32 $0xC00, v49  }
0x17d: {  	v42 =	vor.u32 v42, v43  }
0x17e: {  	v43 =	vor.u32 v2, v42;
	v41 =	vld.idx.msk [tilespmem:v47+s14+$0x0], $0xffff  }
0x17f: {  	v50 =	vor.u32 s3, v3;
	_ =	sdelay $0x3  }
0x180: {  	[tilespmem:v43+s19+$0x0] =	vst.idx.msk $0xffff, v41  }
0x181: {  	v51 =	vor.u32 v4, v42;
	v41 =	vld.idx.msk [tilespmem:v50+s14+$0x0], $0xffff  }
0x182: {  	v52 =	vor.u32 s3, v5;
	_ =	sdelay $0x3  }
0x183: {  	[tilespmem:v51+s19+$0x0] =	vst.idx.msk $0xffff, v41  }
0x184: {  	v53 =	vor.u32 v6, v42;
	v41 =	vld.idx.msk [tilespmem:v52+s14+$0x0], $0xffff  }
0x185: {  	v54 =	vor.u32 s3, v7;
	_ =	sdelay $0x3  }
0x186: {  	[tilespmem:v53+s19+$0x0] =	vst.idx.msk $0xffff, v41  }
0x187: {  	v42 =	vor.u32 v8, v42;
	v41 =	vld.idx.msk [tilespmem:v54+s14+$0x0], $0xffff;
	_ =	sdelay $0x4  }
0x188: {  	[tilespmem:v42+s19+$0x0] =	vst.idx.msk $0xffff, v41  }
0x189: {  	v41 =	vld [tilespmem:s2+$0x4];
	_ =	sdelay $0x4  }
0x18a: {  	(v2sf) =	vpush v41, $0x0;
	_ =	sdelay $0xe  }
0x18b: {  	s28 =	spop (v2sf)  }
0x18c: {  	s3 =	sand.u32 $0xFFFFF80, s28  }
0x18d: {  	s3 =	sadd.s32 s0, s3  }
0x18e: {  	[tilespmem:s14], [sflag:$0x6] =	stream.strided.gather [hbm4b:s3+s8], $0x2000, s9, s8, $0x38;
	[tilespmem:$0x18280] =	vst v63  }
0x18f: {  	_ =	swait.ge [sflag:s24], $0x2000  }
0x190: {  	[sflag:s24] =	ssyncset.done $0x0  }
0x191: {  	[sflag:s24] =	ssyncadd.s32 $0xFFFFE000  }
0x192: {  	v55 =	vld [tilespmem:s2+$0xFFFFFFFD];
	_ =	sdelay $0x4  }
0x193: {  	(v2sf) =	vpush v55, $0x0;
	_ =	sdelay $0xe  }
0x194: {  	s28 =	spop (v2sf)  }
0x195: {  	s3 =	sand.u32 $0x7F, s28  }
0x196: {  	s28 =	sadd.s32 $0xFFFFFFFE, s1;
	v56 =	vor.u32 s3, v1  }
0x197: {  	v57 =	vmov s28  }
0x198: {  	v58 =	vshll.u32 v57, $0x3  }
0x199: {  	v42 =	vand.u32 $0x7D, v57;
	v43 =	vand.u32 $0xC00, v58  }
0x19a: {  	v42 =	vor.u32 v42, v43  }
0x19b: {  	v43 =	vor.u32 v2, v42;
	v41 =	vld.idx.msk [tilespmem:v56+s15+$0x0], $0xffff  }
0x19c: {  	v59 =	vor.u32 s3, v3;
	_ =	sdelay $0x3  }
0x19d: {  	[tilespmem:v43+s19+$0x0] =	vst.idx.msk $0xffff, v41  }
0x19e: {  	v60 =	vor.u32 v4, v42;
	v41 =	vld.idx.msk [tilespmem:v59+s15+$0x0], $0xffff  }
0x19f: {  	v61 =	vor.u32 s3, v5;
	_ =	sdelay $0x3  }
0x1a0: {  	[tilespmem:v60+s19+$0x0] =	vst.idx.msk $0xffff, v41  }
0x1a1: {  	v62 =	vor.u32 v6, v42;
	v41 =	vld.idx.msk [tilespmem:v61+s15+$0x0], $0xffff  }
0x1a2: {  	v63 =	vor.u32 s3, v7;
	_ =	sdelay $0x3  }
0x1a3: {  	[tilespmem:v62+s19+$0x0] =	vst.idx.msk $0xffff, v41  }
0x1a4: {  	v42 =	vor.u32 v8, v42;
	v41 =	vld.idx.msk [tilespmem:v63+s15+$0x0], $0xffff;
	_ =	sdelay $0x4  }
0x1a5: {  	[tilespmem:v42+s19+$0x0] =	vst.idx.msk $0xffff, v41  }
0x1a6: {  	v41 =	vld [tilespmem:s2+$0x5];
	_ =	sdelay $0x4  }
0x1a7: {  	(v2sf) =	vpush v41, $0x0;
	_ =	sdelay $0xe  }
0x1a8: {  	s28 =	spop (v2sf)  }
0x1a9: {  	s3 =	sand.u32 $0xFFFFF80, s28  }
0x1aa: {  	s3 =	sadd.s32 s0, s3  }
0x1ab: {  	[tilespmem:s15], [sflag:$0x7] =	stream.strided.gather [hbm4b:s3+s8], $0x2000, s9, s8, $0x38;
	[tilespmem:$0x18280] =	vst v63  }
0x1ac: {  	_ =	swait.ge [sflag:s25], $0x2000  }
0x1ad: {  	[sflag:s25] =	ssyncset.done $0x0  }
0x1ae: {  	[sflag:s25] =	ssyncadd.s32 $0xFFFFE000  }
0x1af: {  	v46 =	vld [tilespmem:s2+$0xFFFFFFFE];
	_ =	sdelay $0x4  }
0x1b0: {  	(v2sf) =	vpush v46, $0x0;
	_ =	sdelay $0xe  }
0x1b1: {  	s28 =	spop (v2sf)  }
0x1b2: {  	s3 =	sand.u32 $0x7F, s28  }
0x1b3: {  	s28 =	sadd.s32 $0xFFFFFFFF, s1;
	v47 =	vor.u32 s3, v1  }
0x1b4: {  	v48 =	vmov s28  }
0x1b5: {  	v49 =	vshll.u32 v48, $0x3  }
0x1b6: {  	v42 =	vand.u32 $0x7E, v48;
	v43 =	vand.u32 $0xC00, v49  }
0x1b7: {  	v42 =	vor.u32 v42, v43  }
0x1b8: {  	v43 =	vor.u32 v2, v42;
	v41 =	vld.idx.msk [tilespmem:v47+s16+$0x0], $0xffff  }
0x1b9: {  	v50 =	vor.u32 s3, v3;
	_ =	sdelay $0x3  }
0x1ba: {  	[tilespmem:v43+s19+$0x0] =	vst.idx.msk $0xffff, v41  }
0x1bb: {  	v51 =	vor.u32 v4, v42;
	v41 =	vld.idx.msk [tilespmem:v50+s16+$0x0], $0xffff  }
0x1bc: {  	v52 =	vor.u32 s3, v5;
	_ =	sdelay $0x3  }
0x1bd: {  	[tilespmem:v51+s19+$0x0] =	vst.idx.msk $0xffff, v41  }
0x1be: {  	v53 =	vor.u32 v6, v42;
	v41 =	vld.idx.msk [tilespmem:v52+s16+$0x0], $0xffff  }
0x1bf: {  	v54 =	vor.u32 s3, v7;
	_ =	sdelay $0x3  }
0x1c0: {  	[tilespmem:v53+s19+$0x0] =	vst.idx.msk $0xffff, v41  }
0x1c1: {  	v42 =	vor.u32 v8, v42;
	v41 =	vld.idx.msk [tilespmem:v54+s16+$0x0], $0xffff;
	_ =	sdelay $0x4  }
0x1c2: {  	[tilespmem:v42+s19+$0x0] =	vst.idx.msk $0xffff, v41  }
0x1c3: {  	v41 =	vld [tilespmem:s2+$0x6];
	_ =	sdelay $0x4  }
0x1c4: {  	(v2sf) =	vpush v41, $0x0;
	_ =	sdelay $0xe  }
0x1c5: {  	s28 =	spop (v2sf)  }
0x1c6: {  	s3 =	sand.u32 $0xFFFFF80, s28  }
0x1c7: {  	s3 =	sadd.s32 s0, s3  }
0x1c8: {  	[tilespmem:s16], [sflag:$0x8] =	stream.strided.gather [hbm4b:s3+s8], $0x2000, s9, s8, $0x38;
	[tilespmem:$0x18280] =	vst v63  }
0x1c9: {  	_ =	swait.ge [sflag:s26], $0x2000  }
0x1ca: {  	[sflag:s26] =	ssyncset.done $0x0  }
0x1cb: {  	[sflag:s26] =	ssyncadd.s32 $0xFFFFE000  }
0x1cc: {  	v55 =	vld [tilespmem:s2+$0xFFFFFFFF];
	_ =	sdelay $0x4  }
0x1cd: {  	(v2sf) =	vpush v55, $0x0;
	_ =	sdelay $0xe  }
0x1ce: {  	s28 =	spop (v2sf)  }
0x1cf: {  	s3 =	sand.u32 $0x7F, s28  }
0x1d0: {  	v56 =	vor.u32 s3, v1  }
0x1d1: {  	v57 =	vmov s1  }
0x1d2: {  	v58 =	vshll.u32 v57, $0x3  }
0x1d3: {  	v43 =	vand.u32 $0xC00, v58;
	v42 =	vand.u32 $0x7F, v57  }
0x1d4: {  	v42 =	vor.u32 v42, v43  }
0x1d5: {  	v43 =	vor.u32 v2, v42;
	v41 =	vld.idx.msk [tilespmem:v56+s17+$0x0], $0xffff  }
0x1d6: {  	v59 =	vor.u32 s3, v3;
	_ =	sdelay $0x3  }
0x1d7: {  	[tilespmem:v43+s19+$0x0] =	vst.idx.msk $0xffff, v41  }
0x1d8: {  	v60 =	vor.u32 v4, v42;
	v41 =	vld.idx.msk [tilespmem:v59+s17+$0x0], $0xffff  }
0x1d9: {  	v61 =	vor.u32 s3, v5;
	_ =	sdelay $0x3  }
0x1da: {  	[tilespmem:v60+s19+$0x0] =	vst.idx.msk $0xffff, v41  }
0x1db: {  	v62 =	vor.u32 v6, v42;
	v41 =	vld.idx.msk [tilespmem:v61+s17+$0x0], $0xffff  }
0x1dc: {  	v63 =	vor.u32 s3, v7;
	_ =	sdelay $0x3  }
0x1dd: {  	[tilespmem:v62+s19+$0x0] =	vst.idx.msk $0xffff, v41  }
0x1de: {  	v42 =	vor.u32 v8, v42;
	v41 =	vld.idx.msk [tilespmem:v63+s17+$0x0], $0xffff;
	_ =	sdelay $0x4  }
0x1df: {  	[tilespmem:v42+s19+$0x0] =	vst.idx.msk $0xffff, v41  }
0x1e0: {  	v41 =	vld [tilespmem:s2+$0x7];
	_ =	sdelay $0x4  }
0x1e1: {  	(v2sf) =	vpush v41, $0x0;
	_ =	sdelay $0xc  }
0x1e2: {  	p0 =	sne.s32 s1, $0x1F7  }
.Ltmp0:
0x1e3: {  	_ = 	snop;
	(pc) =	sbr.rel @p0 .LBB2_2-.Ltmp0, $4  }
0x1e4: {  	s28 =	spop (v2sf)  }
0x1e5: {  	s3 =	sand.u32 $0xFFFFF80, s28  }
0x1e6: {  	s1 =	sadd.s32 $0x8, s1;
	s2 =	sadd.s32 $0x8, s2;
	s3 =	sadd.s32 s0, s3  }
0x1e7: {  	[tilespmem:s17], [sflag:$0x9] =	stream.strided.gather [hbm4b:s3+s8], $0x2000, s9, s8, $0x38;
	[tilespmem:$0x18280] =	vst v63  }
0x1e8: {  	_ =	swait.ge [sflag:s18], $0x2000  }
0x1e9: {  	[sflag:s18] =	ssyncset.done $0x0  }
0x1ea: {  	[sflag:s18] =	ssyncadd.s32 $0xFFFFE000  }
0x1eb: {  	v41 =	vld [tilespmem:$0x1F8];
	_ =	sdelay $0x4  }
0x1ec: {  	(v2sf) =	vpush v41, $0x0;
	_ =	sdelay $0xe  }
0x1ed: {  	s1 =	spop (v2sf)  }
0x1ee: {  	s1 =	sand.u32 $0x7F, s1  }
0x1ef: {  	v46 =	vor.u32 s1, v1;
	_ =	sdelay $0x4  }
0x1f0: {  	v41 =	vld.idx.msk [tilespmem:v46+s10+$0x0], $0xffff  }
0x1f1: {  	v42 =	vor.u32 s1, v3;
	_ =	sdelay $0x3  }
0x1f2: {  	[tilespmem:v9+s19+$0x0] =	vst.idx.msk $0xffff, v41  }
0x1f3: {  	v41 =	vld.idx.msk [tilespmem:v42+s10+$0x0], $0xffff  }
0x1f4: {  	v47 =	vor.u32 s1, v5;
	_ =	sdelay $0x3  }
0x1f5: {  	[tilespmem:v10+s19+$0x0] =	vst.idx.msk $0xffff, v41  }
0x1f6: {  	v41 =	vld.idx.msk [tilespmem:v47+s10+$0x0], $0xffff  }
0x1f7: {  	v48 =	vor.u32 s1, v7;
	_ =	sdelay $0x3  }
0x1f8: {  	[tilespmem:v11+s19+$0x0] =	vst.idx.msk $0xffff, v41  }
0x1f9: {  	v41 =	vld.idx.msk [tilespmem:v48+s10+$0x0], $0xffff;
	_ =	sdelay $0x4  }
0x1fa: {  	[tilespmem:v12+s19+$0x0] =	vst.idx.msk $0xffff, v41  }
0x1fb: {  	_ =	swait.ge [sflag:s20], $0x2000  }
0x1fc: {  	[sflag:s20] =	ssyncset.done $0x0  }
0x1fd: {  	[sflag:s20] =	ssyncadd.s32 $0xFFFFE000  }
0x1fe: {  	v49 =	vld [tilespmem:$0x1F9];
	_ =	sdelay $0x4  }
0x1ff: {  	(v2sf) =	vpush v49, $0x0;
	_ =	sdelay $0xe  }
0x200: {  	s3 =	spop (v2sf)  }
0x201: {  	s1 =	sand.u32 $0x7F, s3  }
0x202: {  	v50 =	vor.u32 s1, v1;
	_ =	sdelay $0x4  }
0x203: {  	v41 =	vld.idx.msk [tilespmem:v50+s11+$0x0], $0xffff  }
0x204: {  	v51 =	vor.u32 s1, v3;
	_ =	sdelay $0x3  }
0x205: {  	[tilespmem:v13+s19+$0x0] =	vst.idx.msk $0xffff, v41  }
0x206: {  	v41 =	vld.idx.msk [tilespmem:v51+s11+$0x0], $0xffff  }
0x207: {  	v52 =	vor.u32 s1, v5;
	_ =	sdelay $0x3  }
0x208: {  	[tilespmem:v14+s19+$0x0] =	vst.idx.msk $0xffff, v41  }
0x209: {  	v41 =	vld.idx.msk [tilespmem:v52+s11+$0x0], $0xffff  }
0x20a: {  	v53 =	vor.u32 s1, v7;
	_ =	sdelay $0x3  }
0x20b: {  	[tilespmem:v15+s19+$0x0] =	vst.idx.msk $0xffff, v41  }
0x20c: {  	v41 =	vld.idx.msk [tilespmem:v53+s11+$0x0], $0xffff;
	_ =	sdelay $0x4  }
0x20d: {  	[tilespmem:v16+s19+$0x0] =	vst.idx.msk $0xffff, v41  }
0x20e: {  	_ =	swait.ge [sflag:s21], $0x2000  }
0x20f: {  	[sflag:s21] =	ssyncset.done $0x0  }
0x210: {  	[sflag:s21] =	ssyncadd.s32 $0xFFFFE000  }
0x211: {  	v54 =	vld [tilespmem:$0x1FA];
	_ =	sdelay $0x4  }
0x212: {  	(v2sf) =	vpush v54, $0x0;
	_ =	sdelay $0xe  }
0x213: {  	s28 =	spop (v2sf)  }
0x214: {  	s1 =	sand.u32 $0x7F, s28  }
0x215: {  	v55 =	vor.u32 s1, v1;
	_ =	sdelay $0x4  }
0x216: {  	v41 =	vld.idx.msk [tilespmem:v55+s12+$0x0], $0xffff  }
0x217: {  	v56 =	vor.u32 s1, v3;
	_ =	sdelay $0x3  }
0x218: {  	[tilespmem:v17+s19+$0x0] =	vst.idx.msk $0xffff, v41  }
0x219: {  	v41 =	vld.idx.msk [tilespmem:v56+s12+$0x0], $0xffff  }
0x21a: {  	v57 =	vor.u32 s1, v5;
	_ =	sdelay $0x3  }
0x21b: {  	[tilespmem:v18+s19+$0x0] =	vst.idx.msk $0xffff, v41  }
0x21c: {  	v41 =	vld.idx.msk [tilespmem:v57+s12+$0x0], $0xffff  }
0x21d: {  	v58 =	vor.u32 s1, v7;
	_ =	sdelay $0x3  }
0x21e: {  	[tilespmem:v19+s19+$0x0] =	vst.idx.msk $0xffff, v41  }
0x21f: {  	v41 =	vld.idx.msk [tilespmem:v58+s12+$0x0], $0xffff;
	_ =	sdelay $0x4  }
0x220: {  	[tilespmem:v20+s19+$0x0] =	vst.idx.msk $0xffff, v41  }
0x221: {  	_ =	swait.ge [sflag:s22], $0x2000  }
0x222: {  	[sflag:s22] =	ssyncset.done $0x0  }
0x223: {  	[sflag:s22] =	ssyncadd.s32 $0xFFFFE000  }
0x224: {  	v59 =	vld [tilespmem:$0x1FB];
	_ =	sdelay $0x4  }
0x225: {  	(v2sf) =	vpush v59, $0x0;
	_ =	sdelay $0xe  }
0x226: {  	s2 =	spop (v2sf)  }
0x227: {  	s1 =	sand.u32 $0x7F, s2  }
0x228: {  	v60 =	vor.u32 s1, v1;
	_ =	sdelay $0x4  }
0x229: {  	v41 =	vld.idx.msk [tilespmem:v60+s13+$0x0], $0xffff  }
0x22a: {  	v61 =	vor.u32 s1, v3;
	_ =	sdelay $0x3  }
0x22b: {  	[tilespmem:v21+s19+$0x0] =	vst.idx.msk $0xffff, v41  }
0x22c: {  	v41 =	vld.idx.msk [tilespmem:v61+s13+$0x0], $0xffff  }
0x22d: {  	v62 =	vor.u32 s1, v5;
	_ =	sdelay $0x3  }
0x22e: {  	[tilespmem:v22+s19+$0x0] =	vst.idx.msk $0xffff, v41  }
0x22f: {  	v41 =	vld.idx.msk [tilespmem:v62+s13+$0x0], $0xffff  }
0x230: {  	v63 =	vor.u32 s1, v7;
	_ =	sdelay $0x3  }
0x231: {  	[tilespmem:v23+s19+$0x0] =	vst.idx.msk $0xffff, v41  }
0x232: {  	v41 =	vld.idx.msk [tilespmem:v63+s13+$0x0], $0xffff;
	_ =	sdelay $0x4  }
0x233: {  	[tilespmem:v24+s19+$0x0] =	vst.idx.msk $0xffff, v41  }
0x234: {  	_ =	swait.ge [sflag:s23], $0x2000  }
0x235: {  	[sflag:s23] =	ssyncset.done $0x0  }
0x236: {  	[sflag:s23] =	ssyncadd.s32 $0xFFFFE000  }
0x237: {  	v44 =	vld [tilespmem:$0x1FC];
	_ =	sdelay $0x4  }
0x238: {  	(v2sf) =	vpush v44, $0x0;
	_ =	sdelay $0xe  }
0x239: {  	s3 =	spop (v2sf)  }
0x23a: {  	s1 =	sand.u32 $0x7F, s3  }
0x23b: {  	v45 =	vor.u32 s1, v1;
	_ =	sdelay $0x4  }
0x23c: {  	v41 =	vld.idx.msk [tilespmem:v45+s14+$0x0], $0xffff  }
0x23d: {  	v46 =	vor.u32 s1, v3;
	_ =	sdelay $0x3  }
0x23e: {  	[tilespmem:v25+s19+$0x0] =	vst.idx.msk $0xffff, v41  }
0x23f: {  	v41 =	vld.idx.msk [tilespmem:v46+s14+$0x0], $0xffff  }
0x240: {  	v47 =	vor.u32 s1, v5;
	_ =	sdelay $0x3  }
0x241: {  	[tilespmem:v26+s19+$0x0] =	vst.idx.msk $0xffff, v41  }
0x242: {  	v41 =	vld.idx.msk [tilespmem:v47+s14+$0x0], $0xffff  }
0x243: {  	v48 =	vor.u32 s1, v7;
	_ =	sdelay $0x3  }
0x244: {  	[tilespmem:v27+s19+$0x0] =	vst.idx.msk $0xffff, v41  }
0x245: {  	v41 =	vld.idx.msk [tilespmem:v48+s14+$0x0], $0xffff;
	_ =	sdelay $0x4  }
0x246: {  	[tilespmem:v28+s19+$0x0] =	vst.idx.msk $0xffff, v41  }
0x247: {  	_ =	swait.ge [sflag:s24], $0x2000  }
0x248: {  	[sflag:s24] =	ssyncset.done $0x0  }
0x249: {  	[sflag:s24] =	ssyncadd.s32 $0xFFFFE000  }
0x24a: {  	v49 =	vld [tilespmem:$0x1FD];
	_ =	sdelay $0x4  }
0x24b: {  	(v2sf) =	vpush v49, $0x0;
	_ =	sdelay $0xe  }
0x24c: {  	s28 =	spop (v2sf)  }
0x24d: {  	s1 =	sand.u32 $0x7F, s28  }
0x24e: {  	v50 =	vor.u32 s1, v1;
	_ =	sdelay $0x4  }
0x24f: {  	v41 =	vld.idx.msk [tilespmem:v50+s15+$0x0], $0xffff  }
0x250: {  	v51 =	vor.u32 s1, v3;
	_ =	sdelay $0x3  }
0x251: {  	[tilespmem:v29+s19+$0x0] =	vst.idx.msk $0xffff, v41  }
0x252: {  	v41 =	vld.idx.msk [tilespmem:v51+s15+$0x0], $0xffff  }
0x253: {  	v52 =	vor.u32 s1, v5;
	_ =	sdelay $0x3  }
0x254: {  	[tilespmem:v30+s19+$0x0] =	vst.idx.msk $0xffff, v41  }
0x255: {  	v41 =	vld.idx.msk [tilespmem:v52+s15+$0x0], $0xffff  }
0x256: {  	v53 =	vor.u32 s1, v7;
	_ =	sdelay $0x3  }
0x257: {  	[tilespmem:v31+s19+$0x0] =	vst.idx.msk $0xffff, v41  }
0x258: {  	v41 =	vld.idx.msk [tilespmem:v53+s15+$0x0], $0xffff;
	_ =	sdelay $0x4  }
0x259: {  	[tilespmem:v32+s19+$0x0] =	vst.idx.msk $0xffff, v41  }
0x25a: {  	_ =	swait.ge [sflag:s25], $0x2000  }
0x25b: {  	[sflag:s25] =	ssyncset.done $0x0  }
0x25c: {  	[sflag:s25] =	ssyncadd.s32 $0xFFFFE000  }
0x25d: {  	v54 =	vld [tilespmem:$0x1FE];
	_ =	sdelay $0x4  }
0x25e: {  	(v2sf) =	vpush v54, $0x0;
	_ =	sdelay $0xe  }
0x25f: {  	s2 =	spop (v2sf)  }
0x260: {  	s1 =	sand.u32 $0x7F, s2  }
0x261: {  	v55 =	vor.u32 s1, v1;
	_ =	sdelay $0x4  }
0x262: {  	v41 =	vld.idx.msk [tilespmem:v55+s16+$0x0], $0xffff  }
0x263: {  	v56 =	vor.u32 s1, v3;
	_ =	sdelay $0x3  }
0x264: {  	[tilespmem:v33+s19+$0x0] =	vst.idx.msk $0xffff, v41  }
0x265: {  	v41 =	vld.idx.msk [tilespmem:v56+s16+$0x0], $0xffff  }
0x266: {  	v57 =	vor.u32 s1, v5;
	_ =	sdelay $0x3  }
0x267: {  	[tilespmem:v34+s19+$0x0] =	vst.idx.msk $0xffff, v41  }
0x268: {  	v41 =	vld.idx.msk [tilespmem:v57+s16+$0x0], $0xffff  }
0x269: {  	v58 =	vor.u32 s1, v7;
	_ =	sdelay $0x3  }
0x26a: {  	[tilespmem:v35+s19+$0x0] =	vst.idx.msk $0xffff, v41  }
0x26b: {  	v41 =	vld.idx.msk [tilespmem:v58+s16+$0x0], $0xffff;
	_ =	sdelay $0x4  }
0x26c: {  	[tilespmem:v36+s19+$0x0] =	vst.idx.msk $0xffff, v41  }
0x26d: {  	_ =	swait.ge [sflag:s26], $0x2000  }
0x26e: {  	[sflag:s26] =	ssyncset.done $0x0  }
0x26f: {  	[sflag:s26] =	ssyncadd.s32 $0xFFFFE000  }
0x270: {  	v59 =	vld [tilespmem:$0x1FF];
	_ =	sdelay $0x4  }
0x271: {  	(v2sf) =	vpush v59, $0x0;
	_ =	sdelay $0xe  }
0x272: {  	s3 =	spop (v2sf)  }
0x273: {  	s1 =	sand.u32 $0x7F, s3  }
0x274: {  	v60 =	vor.u32 s1, v1;
	_ =	sdelay $0x4  }
0x275: {  	v41 =	vld.idx.msk [tilespmem:v60+s17+$0x0], $0xffff  }
0x276: {  	v61 =	vor.u32 s1, v3;
	_ =	sdelay $0x3  }
0x277: {  	[tilespmem:v37+s19+$0x0] =	vst.idx.msk $0xffff, v41  }
0x278: {  	v41 =	vld.idx.msk [tilespmem:v61+s17+$0x0], $0xffff  }
0x279: {  	v62 =	vor.u32 s1, v5;
	_ =	sdelay $0x3  }
0x27a: {  	[tilespmem:v38+s19+$0x0] =	vst.idx.msk $0xffff, v41  }
0x27b: {  	v41 =	vld.idx.msk [tilespmem:v62+s17+$0x0], $0xffff  }
0x27c: {  	v63 =	vor.u32 s1, v7;
	_ =	sdelay $0x3  }
0x27d: {  	[tilespmem:v39+s19+$0x0] =	vst.idx.msk $0xffff, v41  }
0x27e: {  	v41 =	vld.idx.msk [tilespmem:v63+s17+$0x0], $0xffff;
	_ =	sdelay $0x2  }
0x27f: {  	s31 =	sadd.s32 $0x1, s31  }
0x280: {  	p0 =	sne.s32 s31, s6  }
.Ltmp1:
0x281: {  	s28 =	simm.s32 $0x1000;
	[tilespmem:v40+s19+$0x0] =	vst.idx.msk $0xffff, v41;
	(pc) =	sbr.rel @p0 .LBB2_1-.Ltmp1, $4  }
0x282: {  	[hbm4b:s5+s28] =	stream.strided.scatter [tilespmem:s19], [sflag:$0xA], $0x8000, s29, s28, $0x38;
	[tilespmem:$0x18280] =	vst v63  }
0x283: {  	_ =	swait.ge [sflag:s30], $0x8000  }
0x284: {  	[sflag:s30] =	ssyncset.done $0x0  }
0x285: {  	[sflag:s30] =	ssyncadd.s32 $0xFFFF8000  }
0x286: {  	_ =	sfence.sel $0x180000  }
0x287: {  	[bflag:$0x0] =	sbarrier.arrive $0xFFFF  }
0x288: {  	_ =	strace $0x90000047  }
0x289: {  	s0 =	stileid.u32;
	[bflag:$0x2] =	sbarrier.arrive $0xFFFF  }
0x28a: {  	p0 =	sne.s32 s0, $0x0;
	s0 =	rddreg [dreg:$0x3]  }
0x28b: {  	s0 =	sadd.s32 @!p0 $0x100000, s0  }
0x28c: {  	[sflag:s0] =	ssyncadd.tile.s32 @!p0 $0x1;
	_ =	shalt  }
.Lfunc_end2:
_tile_overlayer_lowered:
.L_overlay_start_2:
0x28d: {  	(tag) =	ssettag $0x2  }
0x28e: {  	s0 =	rddreg [dreg:$0x0];
	s2 =	stileid.u32  }
0x28f: {  	s1 =	rddreg [dreg:$0x1];
	p0 =	sne.s32 s2, $0x0  }
0x290: {  	s3 =	rddreg [dreg:$0x2];
	[bflag:$0x3] =	sbarrier.arrive $0xFFFF;
	s2 =	simm.s32 @!p0 $0x1C0A  }
0x291: {  	[timem:s3], [sflag:s2] =	dma.local @!p0 [hbm:s0], s1  }
0x292: {  	s0 =	simm.s32 @!p0 $0xA  }
0x293: {  	_ =	swait.ge @!p0 [sflag:s0], s1  }
0x294: {  	s1 =	ssub.s32 @!p0 $0x0, s1;
	[sflag:s0] =	ssyncset.done @!p0 $0x0  }
0x295: {  	[sflag:s0] =	ssyncadd.s32 @!p0 s1  }
0x296: {  	[bflag:$0x3] =	sbarrier.arrive $0xFFFF  }
0x297: {  	_ =	shalt  }

</sc_bundles>
